<compile_context>
chip_gen: v7x
topology: tpu7x:2x2x1
jax: 0.10.2.dev20260603
libtpu: 0.0.44.dev20260713+nightly
codegen_flags: <defaults>
</compile_context>

<pallas_src>
import functools

import jax
import jax.numpy as jnp
import numpy as np
from jax import lax
from jax.experimental import pallas as pl
from jax.experimental.pallas import tpu as pltpu
from jax.experimental.pallas import tpu_sc as plsc

S = 2048
H = 1024
NH, KVH, HD = 16, 8, 64
E, TOPK, FF = 8, 2, 4096
EPS = 1e-5
PREC = lax.Precision.HIGHEST
PREC_ATT = lax.Precision.DEFAULT
BF16 = jnp.bfloat16
MAX_ATTN = 30.0
ATTN_MULT = 0.125
ROPE_THETA = 100000.0

NPAIR = S * TOPK
BLK = 512
NBLK = 16
CAP = NBLK * BLK
FBLK = 512
NF = FF // FBLK

QB = 512
RB = 512
NR = S // RB
F32 = jnp.float32

SC_NC, SC_NS = 2, 16
SC_NW = SC_NC * SC_NS
PAIRS_PER_W = NPAIR // SC_NW
SC_CHUNK = 64

def _qkv_kernel(hs_ref, wq_ref, wk_ref, wv_ref, nw_ref, pos_ref,
                q_ref, k_ref, v_ref):
    h = hs_ref[...]
    var = jnp.mean(h * h, axis=1, keepdims=True)
    hn = h * lax.rsqrt(var + EPS) * nw_ref[...]
    q = jnp.dot(hn, wq_ref[...], preferred_element_type=F32,
                precision=PREC_ATT)
    k = jnp.dot(hn, wk_ref[...], preferred_element_type=F32,
                precision=PREC_ATT)
    v = jnp.dot(hn, wv_ref[...], preferred_element_type=F32,
                precision=PREC_ATT)
    pos = pos_ref[...].astype(F32)
    dim = lax.broadcasted_iota(jnp.int32, (1, HD // 2), 1).astype(F32) * 2.0
    inv_freq = jnp.exp(dim * np.float32(-np.log(ROPE_THETA) / HD))
    freqs = pos * inv_freq
    cos = jnp.cos(freqs)
    sin = jnp.sin(freqs)
    hf = HD // 2
    for hh in range(NH):
        qh = q[:, hh * HD:(hh + 1) * HD]
        q1, q2 = qh[:, :hf], qh[:, hf:]
        q_ref[hh] = jnp.concatenate(
            [q1 * cos - q2 * sin, q2 * cos + q1 * sin], axis=1)
    for hh in range(KVH):
        kh = k[:, hh * HD:(hh + 1) * HD]
        k1, k2 = kh[:, :hf], kh[:, hf:]
        k_ref[hh] = jnp.concatenate(
            [k1 * cos - k2 * sin, k2 * cos + k1 * sin], axis=1)
        v_ref[hh] = v[:, hh * HD:(hh + 1) * HD]


def _qkv_call(hs, wq, wk, wv, nw, pos):
    return pl.pallas_call(
        _qkv_kernel,
        grid=(NR,),
        in_specs=[
            pl.BlockSpec((RB, H), lambda i: (i, 0)),
            pl.BlockSpec((H, NH * HD), lambda i: (0, 0)),
            pl.BlockSpec((H, KVH * HD), lambda i: (0, 0)),
            pl.BlockSpec((H, KVH * HD), lambda i: (0, 0)),
            pl.BlockSpec((1, H), lambda i: (0, 0)),
            pl.BlockSpec((RB, 1), lambda i: (i, 0)),
        ],
        out_specs=[
            pl.BlockSpec((NH, RB, HD), lambda i: (0, i, 0)),
            pl.BlockSpec((KVH, RB, HD), lambda i: (0, i, 0)),
            pl.BlockSpec((KVH, RB, HD), lambda i: (0, i, 0)),
        ],
        out_shape=[jax.ShapeDtypeStruct((NH, S, HD), F32),
                   jax.ShapeDtypeStruct((KVH, S, HD), F32),
                   jax.ShapeDtypeStruct((KVH, S, HD), F32)],
    )(hs, wq, wk, wv, nw, pos)


def _attn_kernel(q_ref, k_ref, v_ref, o_ref):
    q = q_ref[0]
    k = k_ref[0]
    s = lax.dot_general(q, k, (((1,), (1,)), ((), ())),
                        preferred_element_type=F32,
                        precision=PREC_ATT) * ATTN_MULT
    s = MAX_ATTN * jnp.tanh(s * (1.0 / MAX_ATTN))
    m = jnp.max(s, axis=1, keepdims=True)
    p = jnp.exp(s - m)
    p = p / jnp.sum(p, axis=1, keepdims=True)
    o_ref[0] = jnp.dot(p, v_ref[0], preferred_element_type=F32,
                       precision=PREC_ATT)


def _post_attn_kernel(ctx_ref, wo_ref, hs_ref, postw_ref, premoew_ref,
                      rw_ref, hid_ref, x_ref, w1_ref, w2_ref, i1_ref,
                      i2_ref):
    ctx2d = jnp.concatenate([ctx_ref[hh] for hh in range(NH)], axis=1)
    ctx2d = ctx2d.astype(BF16).astype(F32)
    attn = jnp.dot(ctx2d, wo_ref[...], preferred_element_type=F32,
                   precision=PREC)
    var = jnp.mean(attn * attn, axis=1, keepdims=True)
    hid = hs_ref[...] + attn * lax.rsqrt(var + EPS) * postw_ref[...]
    hid_ref[...] = hid
    var2 = jnp.mean(hid * hid, axis=1, keepdims=True)
    x = hid * lax.rsqrt(var2 + EPS) * premoew_ref[...]
    x_ref[...] = x

    xb = x.astype(BF16).astype(F32)
    logits = jnp.dot(xb, rw_ref[...], preferred_element_type=F32,
                     precision=PREC)
    colid = lax.broadcasted_iota(jnp.int32, (RB, E), 1)
    m1 = jnp.max(logits, axis=1, keepdims=True)
    i1 = jnp.min(jnp.where(logits == m1, colid, E), axis=1, keepdims=True)
    l2 = jnp.where(colid == i1, -jnp.inf, logits)
    m2 = jnp.max(l2, axis=1, keepdims=True)
    i2 = jnp.min(jnp.where(l2 == m2, colid, E), axis=1, keepdims=True)
    w1 = 1.0 / (1.0 + jnp.exp(m2 - m1))
    w1_ref[...] = w1
    w2_ref[...] = 1.0 - w1
    i1_ref[...] = i1
    i2_ref[...] = i2


def _route_kernel(i1_ref, i2_ref, dest_ref, meta_ref):
    ep = jnp.concatenate([i1_ref[...], i2_ref[...]], axis=0)
    cols = lax.broadcasted_iota(jnp.int32, (NPAIR, E), 1)
    onehot = (ep == cols).astype(jnp.int32)
    inc = onehot
    sh = 1
    while sh < NPAIR:
        shifted = jnp.concatenate(
            [jnp.zeros((sh, E), jnp.int32), inc[:NPAIR - sh]], axis=0)
        inc = inc + shifted
        sh *= 2
    counts = inc[NPAIR - 1:NPAIR, :]
    nblk = (counts + (BLK - 1)) // BLK
    cb = nblk
    sh = 1
    while sh < E:
        cb = cb + jnp.concatenate(
            [jnp.zeros((1, sh), jnp.int32), cb[:, :E - sh]], axis=1)
        sh *= 2
    excl_blk = cb - nblk
    row_off = excl_blk * BLK
    rank = jnp.sum(onehot * (inc - 1), axis=1, keepdims=True)
    base = jnp.sum(onehot * row_off, axis=1, keepdims=True)
    dest_ref[...] = base + rank

    total = jnp.sum(nblk, axis=1, keepdims=True)
    bid = lax.broadcasted_iota(jnp.int32, (NBLK, E), 0)
    ge = (bid >= excl_blk).astype(jnp.int32)
    be = jnp.sum(ge, axis=1, keepdims=True) - 1
    bvalid = lax.broadcasted_iota(jnp.int32, (NBLK, 1), 0) < total
    meta_ref[...] = jnp.where(bvalid, be, E)


def _dispatch_body(x_hbm, dest_hbm, xs_hbm, idx_v, rows_v, sem):
    wid = lax.axis_index("s") * SC_NC + lax.axis_index("c")
    for c in range(PAIRS_PER_W // SC_CHUNK):
        base = wid * PAIRS_PER_W + c * SC_CHUNK
        tok = lax.rem(base, S)
        pltpu.sync_copy(dest_hbm.at[pl.ds(base, SC_CHUNK)], idx_v)
        pltpu.sync_copy(x_hbm.at[pl.ds(tok, SC_CHUNK)], rows_v)
        pltpu.async_copy(rows_v, xs_hbm.at[idx_v], sem).wait()


def _combine_body(y_hbm, dest_hbm, yg_hbm, idx_v, rows_v, sem):
    wid = lax.axis_index("s") * SC_NC + lax.axis_index("c")
    for c in range(PAIRS_PER_W // SC_CHUNK):
        base = wid * PAIRS_PER_W + c * SC_CHUNK
        pltpu.sync_copy(dest_hbm.at[pl.ds(base, SC_CHUNK)], idx_v)
        pltpu.async_copy(y_hbm.at[idx_v], rows_v, sem).wait()
        pltpu.sync_copy(rows_v, yg_hbm.at[pl.ds(base, SC_CHUNK)])


def _ffn_kernel(meta_ref, xs_ref, wg_ref, wl_ref, wo_ref, y_ref):
    b = pl.program_id(0)
    f = pl.program_id(1)
    e = meta_ref[b]

    @pl.when(e < E)
    def _():
        x = xs_ref[...]
        g = jnp.dot(x, wg_ref[0], preferred_element_type=F32,
                    precision=PREC_ATT)
        ge = 0.5 * g * (1.0 + lax.erf(g * np.float32(1.0 / np.sqrt(2.0))))
        vv = jnp.dot(x, wl_ref[0], preferred_element_type=F32,
                     precision=PREC_ATT)
        contrib = jnp.dot(ge * vv, wo_ref[0],
                          preferred_element_type=F32, precision=PREC)

        @pl.when(f == 0)
        def _():
            y_ref[...] = contrib

        @pl.when(f > 0)
        def _():
            y_ref[...] += contrib


def _final_kernel(yg_ref, w1_ref, w2_ref, hid_ref, pw_ref, out_ref):
    moe = w1_ref[...] * yg_ref[0] + w2_ref[...] * yg_ref[1]
    var = jnp.mean(moe * moe, axis=1, keepdims=True)
    out_ref[...] = hid_ref[...] + moe * lax.rsqrt(var + EPS) * pw_ref[...]


def kernel(hidden_states, wq, wk, wv, wo, pre_attn_norm_w, post_attn_norm_w,
           pre_moe_norm_w, post_moe_norm_w, router_w, expert_w_gate,
           expert_w_lin, expert_w_out, position_ids):
    hs = hidden_states.reshape(S, H)
    pos = position_ids.reshape(S, 1)

    q, k, v = _qkv_call(hs, wq, wk, wv, pre_attn_norm_w.reshape(1, H), pos)

    ctx = pl.pallas_call(
        _attn_kernel,
        grid=(NH, S // QB),
        in_specs=[
            pl.BlockSpec((1, QB, HD), lambda h, i: (h, i, 0)),
            pl.BlockSpec((1, S, HD), lambda h, i: (h // (NH // KVH), 0, 0)),
            pl.BlockSpec((1, S, HD), lambda h, i: (h // (NH // KVH), 0, 0)),
        ],
        out_specs=pl.BlockSpec((1, QB, HD), lambda h, i: (h, i, 0)),
        out_shape=jax.ShapeDtypeStruct((NH, S, HD), F32),
    )(q, k, v)

    hid, x, w1, w2, i1, i2 = pl.pallas_call(
        _post_attn_kernel,
        grid=(NR,),
        in_specs=[
            pl.BlockSpec((NH, RB, HD), lambda i: (0, i, 0)),
            pl.BlockSpec((NH * HD, H), lambda i: (0, 0)),
            pl.BlockSpec((RB, H), lambda i: (i, 0)),
            pl.BlockSpec((1, H), lambda i: (0, 0)),
            pl.BlockSpec((1, H), lambda i: (0, 0)),
            pl.BlockSpec((H, E), lambda i: (0, 0)),
        ],
        out_specs=[
            pl.BlockSpec((RB, H), lambda i: (i, 0)),
            pl.BlockSpec((RB, H), lambda i: (i, 0)),
            pl.BlockSpec((RB, 1), lambda i: (i, 0)),
            pl.BlockSpec((RB, 1), lambda i: (i, 0)),
            pl.BlockSpec((RB, 1), lambda i: (i, 0)),
            pl.BlockSpec((RB, 1), lambda i: (i, 0)),
        ],
        out_shape=[jax.ShapeDtypeStruct((S, H), F32),
                   jax.ShapeDtypeStruct((S, H), F32),
                   jax.ShapeDtypeStruct((S, 1), F32),
                   jax.ShapeDtypeStruct((S, 1), F32),
                   jax.ShapeDtypeStruct((S, 1), jnp.int32),
                   jax.ShapeDtypeStruct((S, 1), jnp.int32)],
    )(ctx, wo, hs, post_attn_norm_w.reshape(1, H),
      pre_moe_norm_w.reshape(1, H), router_w)

    dest, meta = pl.pallas_call(
        _route_kernel,
        out_shape=[jax.ShapeDtypeStruct((NPAIR, 1), jnp.int32),
                   jax.ShapeDtypeStruct((NBLK, 1), jnp.int32)],
    )(i1, i2)

    dest1d = dest.reshape(NPAIR)
    meta1d = meta.reshape(NBLK)

    sc_mesh = plsc.VectorSubcoreMesh(core_axis_name="c", subcore_axis_name="s")
    xs = pl.kernel(
        _dispatch_body,
        out_type=jax.ShapeDtypeStruct((CAP, H), F32),
        mesh=sc_mesh,
        scratch_types=[pltpu.VMEM((SC_CHUNK,), jnp.int32),
                       pltpu.VMEM((SC_CHUNK, H), F32),
                       pltpu.SemaphoreType.DMA],
    )(x, dest1d)

    y = pl.pallas_call(
        _ffn_kernel,
        grid_spec=pltpu.PrefetchScalarGridSpec(
            num_scalar_prefetch=1,
            grid=(NBLK, NF),
            in_specs=[
                pl.BlockSpec((BLK, H), lambda b, f, m: (b, 0)),
                pl.BlockSpec((1, H, FBLK),
                             lambda b, f, m: (jnp.minimum(m[b], E - 1), 0, f)),
                pl.BlockSpec((1, H, FBLK),
                             lambda b, f, m: (jnp.minimum(m[b], E - 1), 0, f)),
                pl.BlockSpec((1, FBLK, H),
                             lambda b, f, m: (jnp.minimum(m[b], E - 1), f, 0)),
            ],
            out_specs=pl.BlockSpec((BLK, H), lambda b, f, m: (b, 0)),
        ),
        out_shape=jax.ShapeDtypeStruct((CAP, H), F32),
        compiler_params=pltpu.CompilerParams(
            dimension_semantics=("arbitrary", "arbitrary")),
    )(meta1d, xs, expert_w_gate, expert_w_lin, expert_w_out)

    yg = pl.kernel(
        _combine_body,
        out_type=jax.ShapeDtypeStruct((NPAIR, H), F32),
        mesh=sc_mesh,
        scratch_types=[pltpu.VMEM((SC_CHUNK,), jnp.int32),
                       pltpu.VMEM((SC_CHUNK, H), F32),
                       pltpu.SemaphoreType.DMA],
    )(y, dest1d)

    out = pl.pallas_call(
        _final_kernel,
        grid=(S // QB,),
        in_specs=[
            pl.BlockSpec((TOPK, QB, H), lambda i: (0, i, 0)),
            pl.BlockSpec((QB, 1), lambda i: (i, 0)),
            pl.BlockSpec((QB, 1), lambda i: (i, 0)),
            pl.BlockSpec((QB, H), lambda i: (i, 0)),
            pl.BlockSpec((1, H), lambda i: (0, 0)),
        ],
        out_specs=pl.BlockSpec((QB, H), lambda i: (i, 0)),
        out_shape=jax.ShapeDtypeStruct((S, H), F32),
    )(yg.reshape(TOPK, S, H), w1, w2, hid, post_moe_norm_w.reshape(1, H))

    return out.reshape(1, S, H)

# --- scband reference (transcript-rebuilt; emitter-appended) ---
"""Pipeline reference for scband-grok-decoder-layer-32985348833415 (READ-ONLY COPY).

The authoritative reference and input builder live on the scoring server;
editing this copy changes nothing except your own understanding.
"""

import jax, jax.numpy as jnp
import numpy as np

B, S = 1, 2048
H, NH, KVH, HD = 1024, 16, 8, 64
E, TOPK, FF = 8, 2, 4096
EPS = 1e-5
MAX_ATTN = 30.0
ATTN_MULT = 0.125
ROPE_THETA = 100000.0


def rms_norm(x, w):
    v = jnp.mean(jnp.square(x), axis=-1, keepdims=True)
    return x * jax.lax.rsqrt(v + EPS) * w


def rotate_half(x):
    x1 = x[..., : x.shape[-1] // 2]
    x2 = x[..., x.shape[-1] // 2:]
    return jnp.concatenate((-x2, x1), axis=-1)


def setup_inputs(seed: int = 0):
    key = jax.random.key(seed)
    ks = jax.random.split(key, 10)
    sc = 0.02
    inp = {}
    inp["hidden_states"] = jax.random.normal(ks[0], (B, S, H), dtype=jnp.float32)
    inp["wq"] = jax.random.normal(ks[1], (H, NH * HD), dtype=jnp.float32) * sc
    inp["wk"] = jax.random.normal(ks[2], (H, KVH * HD), dtype=jnp.float32) * sc
    inp["wv"] = jax.random.normal(ks[3], (H, KVH * HD), dtype=jnp.float32) * sc
    inp["wo"] = jax.random.normal(ks[4], (NH * HD, H), dtype=jnp.float32) * sc
    inp["pre_attn_norm_w"] = jnp.ones((H,), dtype=jnp.float32)
    inp["post_attn_norm_w"] = jnp.ones((H,), dtype=jnp.float32)
    inp["pre_moe_norm_w"] = jnp.ones((H,), dtype=jnp.float32)
    inp["post_moe_norm_w"] = jnp.ones((H,), dtype=jnp.float32)
    inp["router_w"] = jax.random.normal(ks[5], (H, E), dtype=jnp.float32) * sc
    inp["expert_w_gate"] = jax.random.normal(ks[6], (E, H, FF), dtype=jnp.float32) * sc
    inp["expert_w_lin"] = jax.random.normal(ks[7], (E, H, FF), dtype=jnp.float32) * sc
    inp["expert_w_out"] = jax.random.normal(ks[8], (E, FF, H), dtype=jnp.float32) * sc
    inp["position_ids"] = jnp.arange(S, dtype=jnp.int32)[None, :]
    return inp


def _forward(hidden_states, wq, wk, wv, wo, pre_attn_norm_w, post_attn_norm_w,
             pre_moe_norm_w, post_moe_norm_w, router_w, expert_w_gate,
             expert_w_lin, expert_w_out, position_ids):
    # --- attention block (pre-norm, rotary GQA, tanh logit cap, post-norm) ---
    residual = hidden_states
    h = rms_norm(hidden_states, pre_attn_norm_w)
    q = (h @ wq).reshape(B, S, NH, HD).transpose(0, 2, 1, 3)
    k = (h @ wk).reshape(B, S, KVH, HD).transpose(0, 2, 1, 3)
    v = (h @ wv).reshape(B, S, KVH, HD).transpose(0, 2, 1, 3)
    inv_freq = 1.0 / (ROPE_THETA ** (jnp.arange(0, HD, 2, dtype=jnp.float32) / HD))
    freqs = position_ids.astype(jnp.float32)[..., None] * inv_freq  # [1, S, HD//2]
    emb = jnp.concatenate((freqs, freqs), axis=-1)
    cos = jnp.cos(emb)[:, None, :, :]
    sin = jnp.sin(emb)[:, None, :, :]
    q = q * cos + rotate_half(q) * sin
    k = k * cos + rotate_half(k) * sin
    rep = NH // KVH
    k = jnp.repeat(k, rep, axis=1)
    v = jnp.repeat(v, rep, axis=1)
    attn = jnp.einsum("bhqd,bhkd->bhqk", q, k) * ATTN_MULT
    attn = MAX_ATTN * jnp.tanh(attn / MAX_ATTN)
    # attention_mask is None at the layer level -> no additive mask applied
    probs = jax.nn.softmax(attn.astype(jnp.float32), axis=-1)
    ctx = jnp.einsum("bhqk,bhkd->bhqd", probs, v)
    ctx = ctx.transpose(0, 2, 1, 3).reshape(B, S, NH * HD)
    attn_out = ctx @ wo
    h = rms_norm(attn_out, post_attn_norm_w)
    hidden = residual + h
    # --- MoE block (pre-norm, top-2 routed GeGLU experts, post-norm) ---
    residual2 = hidden
    h = rms_norm(hidden, pre_moe_norm_w)
    x = h.reshape(-1, H)
    logits = x @ router_w
    rw = jax.nn.softmax(logits.astype(jnp.float32), axis=-1)
    top_w, top_i = jax.lax.top_k(rw, TOPK)
    top_w = top_w / jnp.sum(top_w, axis=-1, keepdims=True)
    full_w = jnp.zeros((x.shape[0], E), dtype=jnp.float32)
    for kk in range(TOPK):
        full_w = full_w + jax.nn.one_hot(top_i[:, kk], E, dtype=jnp.float32) * top_w[:, kk:kk + 1]
    moe = jnp.zeros_like(x)
    for e in range(E):
        ge = jax.nn.gelu(x @ expert_w_gate[e], approximate=False)
        ve = x @ expert_w_lin[e]
        oe = (ge * ve) @ expert_w_out[e]
        moe = moe + full_w[:, e:e + 1] * oe
    moe = moe.reshape(B, S, H)
    h = rms_norm(moe, post_moe_norm_w)
    return residual2 + h


def reference(hidden_states, wq, wk, wv, wo, pre_attn_norm_w, post_attn_norm_w,
              pre_moe_norm_w, post_moe_norm_w, router_w, expert_w_gate,
              expert_w_lin, expert_w_out, position_ids):
    return _forward(hidden_states, wq, wk, wv, wo, pre_attn_norm_w,
                    post_attn_norm_w, pre_moe_norm_w, post_moe_norm_w, router_w,
                    expert_w_gate, expert_w_lin, expert_w_out, position_ids)

if __name__ == "__main__":
    import jax
    _d = setup_inputs()
    print(jax.jit(kernel)(*tuple(_d.values())))

</pallas_src>

<mosaic_0001>
#map = affine_map<(d0, d1) -> (0, 0)>
#map1 = affine_map<(d0, d1) -> (0)>
module attributes {stable_mosaic.version = 14 : i64} {
  func.func @_dispatch_body(%arg0: i32, %arg1: i32, %arg2: memref<2048x1024xf32, #tpu.memory_space<hbm>>, %arg3: memref<4096xi32, #tpu.memory_space<hbm>>, %arg4: memref<8192x1024xf32, #tpu.memory_space<hbm>>, %arg5: memref<64xi32, #tpu.memory_space<vmem>>, %arg6: memref<64x1024xf32, #tpu.memory_space<vmem>>, %arg7: memref<!tpu.dma_semaphore, #tpu.memory_space<semaphore_mem>>) attributes {dimension_semantics = [#tpu.dimension_semantics<core_parallel>, #tpu.dimension_semantics<subcore_parallel>], iteration_bounds = array<i64: 2, 16>, scalar_prefetch = 0 : i64, scratch_operands = 3 : i64, tpu.core_type = #tpu.core_type<sc_vector_subcore>, window_params = [{transform_indices = #map}, {transform_indices = #map1}, {transform_indices = #map}]} {
    %mul3A = arith.constant 2 : i32
    %mul3A_0 = arith.muli %arg1, %mul3A : i32
    %add3A = arith.addi %mul3A_0, %arg0 : i32
    %mul3A_1 = arith.constant 128 : i32
    %mul3A_2 = arith.muli %add3A, %mul3A_1 : i32
    %add3A_3 = arith.constant 0 : i32
    %add3A_4 = arith.addi %mul3A_2, %add3A_3 : i32
    %rem3A = arith.constant 2048 : i32
    %rem3A_5 = arith.remsi %add3A_4, %rem3A : i32
    "tpu.region"() ({
      %run_scoped3A = tpu.sem_alloc : memref<!tpu.dma_semaphore, #tpu.memory_space<semaphore_mem>>
      %dma_start3A_22 = tpu.memref_slice %arg3[%add3A_4] : memref<4096xi32, #tpu.memory_space<hbm>> -> memref<64xi32, #tpu.memory_space<hbm>>
      %dma_start3A_23 = tpu.memref_slice %arg3[%add3A_4] : memref<4096xi32, #tpu.memory_space<hbm>> -> memref<64xi32, #tpu.memory_space<hbm>>
      tpu.enqueue_dma source(%dma_start3A_23 : memref<64xi32, #tpu.memory_space<hbm>>) target(%arg5 : memref<64xi32, #tpu.memory_space<vmem>>) target_semaphore(%run_scoped3A : memref<!tpu.dma_semaphore, #tpu.memory_space<semaphore_mem>>)
      %dma_wait3A_24 = tpu.memref_slice %arg3[%add3A_4] : memref<4096xi32, #tpu.memory_space<hbm>> -> memref<64xi32, #tpu.memory_space<hbm>>
      %dma_wait3A_25 = tpu.memref_slice %arg3[%add3A_4] : memref<4096xi32, #tpu.memory_space<hbm>> -> memref<64xi32, #tpu.memory_space<hbm>>
      tpu.wait_dma2 semaphore(%run_scoped3A : memref<!tpu.dma_semaphore, #tpu.memory_space<semaphore_mem>>) src(%dma_wait3A_25 : memref<64xi32, #tpu.memory_space<hbm>>) dst(%arg5 : memref<64xi32, #tpu.memory_space<vmem>>)
      tpu.yield
    }) : () -> ()
    "tpu.region"() ({
      %run_scoped3A = tpu.sem_alloc : memref<!tpu.dma_semaphore, #tpu.memory_space<semaphore_mem>>
      %dma_start3A_22 = arith.constant 0 : i32
      %dma_start3A_23 = tpu.memref_slice %arg2[%rem3A_5, %dma_start3A_22] : memref<2048x1024xf32, #tpu.memory_space<hbm>> -> memref<64x1024xf32, #tpu.memory_space<hbm>>
      %dma_start3A_24 = arith.constant 0 : i32
      %dma_start3A_25 = tpu.memref_slice %arg2[%rem3A_5, %dma_start3A_24] : memref<2048x1024xf32, #tpu.memory_space<hbm>> -> memref<64x1024xf32, #tpu.memory_space<hbm>>
      tpu.enqueue_dma source(%dma_start3A_25 : memref<64x1024xf32, #tpu.memory_space<hbm>>) target(%arg6 : memref<64x1024xf32, #tpu.memory_space<vmem>>) target_semaphore(%run_scoped3A : memref<!tpu.dma_semaphore, #tpu.memory_space<semaphore_mem>>)
      %dma_wait3A_26 = arith.constant 0 : i32
      %dma_wait3A_27 = tpu.memref_slice %arg2[%rem3A_5, %dma_wait3A_26] : memref<2048x1024xf32, #tpu.memory_space<hbm>> -> memref<64x1024xf32, #tpu.memory_space<hbm>>
      %dma_wait3A_28 = arith.constant 0 : i32
      %dma_wait3A_29 = tpu.memref_slice %arg2[%rem3A_5, %dma_wait3A_28] : memref<2048x1024xf32, #tpu.memory_space<hbm>> -> memref<64x1024xf32, #tpu.memory_space<hbm>>
      tpu.wait_dma2 semaphore(%run_scoped3A : memref<!tpu.dma_semaphore, #tpu.memory_space<semaphore_mem>>) src(%dma_wait3A_29 : memref<64x1024xf32, #tpu.memory_space<hbm>>) dst(%arg6 : memref<64x1024xf32, #tpu.memory_space<vmem>>)
      tpu.yield
    }) : () -> ()
    %dma_start3A = arith.constant 0 : i32
    %dma_start3A_6 = arith.constant 0 : i32
    %dma_start3A_7 = tpu.memref_slice %arg4[%dma_start3A, %dma_start3A_6] : memref<8192x1024xf32, #tpu.memory_space<hbm>> -> memref<8192x1024xf32, #tpu.memory_space<hbm>>
    tpu.enqueue_indirect_dma source(%arg6 : memref<64x1024xf32, #tpu.memory_space<vmem>>) target(%dma_start3A_7 : memref<8192x1024xf32, #tpu.memory_space<hbm>>) offsets(%arg5 : memref<64xi32, #tpu.memory_space<vmem>>) semaphore(%arg7 : memref<!tpu.dma_semaphore, #tpu.memory_space<semaphore_mem>>)
    %dma_wait3A = arith.constant 0 : i32
    %dma_wait3A_8 = arith.constant 0 : i32
    %dma_wait3A_9 = tpu.memref_slice %arg4[%dma_wait3A, %dma_wait3A_8] : memref<8192x1024xf32, #tpu.memory_space<hbm>> -> memref<8192x1024xf32, #tpu.memory_space<hbm>>
    tpu.wait_indirect_dma semaphore(%arg7 : memref<!tpu.dma_semaphore, #tpu.memory_space<semaphore_mem>>) src(%arg6 : memref<64x1024xf32, #tpu.memory_space<vmem>>) dst(%dma_wait3A_9 : memref<8192x1024xf32, #tpu.memory_space<hbm>>)
    %mul3A_10 = arith.constant 128 : i32
    %mul3A_11 = arith.muli %add3A, %mul3A_10 : i32
    %add3A_12 = arith.constant 64 : i32
    %add3A_13 = arith.addi %mul3A_11, %add3A_12 : i32
    %rem3A_14 = arith.constant 2048 : i32
    %rem3A_15 = arith.remsi %add3A_13, %rem3A_14 : i32
    "tpu.region"() ({
      %run_scoped3A = tpu.sem_alloc : memref<!tpu.dma_semaphore, #tpu.memory_space<semaphore_mem>>
      %dma_start3A_22 = tpu.memref_slice %arg3[%add3A_13] : memref<4096xi32, #tpu.memory_space<hbm>> -> memref<64xi32, #tpu.memory_space<hbm>>
      %dma_start3A_23 = tpu.memref_slice %arg3[%add3A_13] : memref<4096xi32, #tpu.memory_space<hbm>> -> memref<64xi32, #tpu.memory_space<hbm>>
      tpu.enqueue_dma source(%dma_start3A_23 : memref<64xi32, #tpu.memory_space<hbm>>) target(%arg5 : memref<64xi32, #tpu.memory_space<vmem>>) target_semaphore(%run_scoped3A : memref<!tpu.dma_semaphore, #tpu.memory_space<semaphore_mem>>)
      %dma_wait3A_24 = tpu.memref_slice %arg3[%add3A_13] : memref<4096xi32, #tpu.memory_space<hbm>> -> memref<64xi32, #tpu.memory_space<hbm>>
      %dma_wait3A_25 = tpu.memref_slice %arg3[%add3A_13] : memref<4096xi32, #tpu.memory_space<hbm>> -> memref<64xi32, #tpu.memory_space<hbm>>
      tpu.wait_dma2 semaphore(%run_scoped3A : memref<!tpu.dma_semaphore, #tpu.memory_space<semaphore_mem>>) src(%dma_wait3A_25 : memref<64xi32, #tpu.memory_space<hbm>>) dst(%arg5 : memref<64xi32, #tpu.memory_space<vmem>>)
      tpu.yield
    }) : () -> ()
    "tpu.region"() ({
      %run_scoped3A = tpu.sem_alloc : memref<!tpu.dma_semaphore, #tpu.memory_space<semaphore_mem>>
      %dma_start3A_22 = arith.constant 0 : i32
      %dma_start3A_23 = tpu.memref_slice %arg2[%rem3A_15, %dma_start3A_22] : memref<2048x1024xf32, #tpu.memory_space<hbm>> -> memref<64x1024xf32, #tpu.memory_space<hbm>>
      %dma_start3A_24 = arith.constant 0 : i32
      %dma_start3A_25 = tpu.memref_slice %arg2[%rem3A_15, %dma_start3A_24] : memref<2048x1024xf32, #tpu.memory_space<hbm>> -> memref<64x1024xf32, #tpu.memory_space<hbm>>
      tpu.enqueue_dma source(%dma_start3A_25 : memref<64x1024xf32, #tpu.memory_space<hbm>>) target(%arg6 : memref<64x1024xf32, #tpu.memory_space<vmem>>) target_semaphore(%run_scoped3A : memref<!tpu.dma_semaphore, #tpu.memory_space<semaphore_mem>>)
      %dma_wait3A_26 = arith.constant 0 : i32
      %dma_wait3A_27 = tpu.memref_slice %arg2[%rem3A_15, %dma_wait3A_26] : memref<2048x1024xf32, #tpu.memory_space<hbm>> -> memref<64x1024xf32, #tpu.memory_space<hbm>>
      %dma_wait3A_28 = arith.constant 0 : i32
      %dma_wait3A_29 = tpu.memref_slice %arg2[%rem3A_15, %dma_wait3A_28] : memref<2048x1024xf32, #tpu.memory_space<hbm>> -> memref<64x1024xf32, #tpu.memory_space<hbm>>
      tpu.wait_dma2 semaphore(%run_scoped3A : memref<!tpu.dma_semaphore, #tpu.memory_space<semaphore_mem>>) src(%dma_wait3A_29 : memref<64x1024xf32, #tpu.memory_space<hbm>>) dst(%arg6 : memref<64x1024xf32, #tpu.memory_space<vmem>>)
      tpu.yield
    }) : () -> ()
    %dma_start3A_16 = arith.constant 0 : i32
    %dma_start3A_17 = arith.constant 0 : i32
    %dma_start3A_18 = tpu.memref_slice %arg4[%dma_start3A_16, %dma_start3A_17] : memref<8192x1024xf32, #tpu.memory_space<hbm>> -> memref<8192x1024xf32, #tpu.memory_space<hbm>>
    tpu.enqueue_indirect_dma source(%arg6 : memref<64x1024xf32, #tpu.memory_space<vmem>>) target(%dma_start3A_18 : memref<8192x1024xf32, #tpu.memory_space<hbm>>) offsets(%arg5 : memref<64xi32, #tpu.memory_space<vmem>>) semaphore(%arg7 : memref<!tpu.dma_semaphore, #tpu.memory_space<semaphore_mem>>)
    %dma_wait3A_19 = arith.constant 0 : i32
    %dma_wait3A_20 = arith.constant 0 : i32
    %dma_wait3A_21 = tpu.memref_slice %arg4[%dma_wait3A_19, %dma_wait3A_20] : memref<8192x1024xf32, #tpu.memory_space<hbm>> -> memref<8192x1024xf32, #tpu.memory_space<hbm>>
    tpu.wait_indirect_dma semaphore(%arg7 : memref<!tpu.dma_semaphore, #tpu.memory_space<semaphore_mem>>) src(%arg6 : memref<64x1024xf32, #tpu.memory_space<vmem>>) dst(%dma_wait3A_21 : memref<8192x1024xf32, #tpu.memory_space<hbm>>)
    return
  }
}

#map = affine_map<(d0, d1) -> (0, 0)>
#map1 = affine_map<(d0, d1) -> (0)>
module attributes {stable_mosaic.version = 14 : i64} {
  func.func @_combine_body(%arg0: i32, %arg1: i32, %arg2: memref<8192x1024xf32, #tpu.memory_space<hbm>>, %arg3: memref<4096xi32, #tpu.memory_space<hbm>>, %arg4: memref<4096x1024xf32, #tpu.memory_space<hbm>>, %arg5: memref<64xi32, #tpu.memory_space<vmem>>, %arg6: memref<64x1024xf32, #tpu.memory_space<vmem>>, %arg7: memref<!tpu.dma_semaphore, #tpu.memory_space<semaphore_mem>>) attributes {dimension_semantics = [#tpu.dimension_semantics<core_parallel>, #tpu.dimension_semantics<subcore_parallel>], iteration_bounds = array<i64: 2, 16>, scalar_prefetch = 0 : i64, scratch_operands = 3 : i64, tpu.core_type = #tpu.core_type<sc_vector_subcore>, window_params = [{transform_indices = #map}, {transform_indices = #map1}, {transform_indices = #map}]} {
    %mul3A = arith.constant 2 : i32
    %mul3A_0 = arith.muli %arg1, %mul3A : i32
    %add3A = arith.addi %mul3A_0, %arg0 : i32
    %mul3A_1 = arith.constant 128 : i32
    %mul3A_2 = arith.muli %add3A, %mul3A_1 : i32
    %add3A_3 = arith.constant 0 : i32
    %add3A_4 = arith.addi %mul3A_2, %add3A_3 : i32
    "tpu.region"() ({
      %run_scoped3A = tpu.sem_alloc : memref<!tpu.dma_semaphore, #tpu.memory_space<semaphore_mem>>
      %dma_start3A_19 = tpu.memref_slice %arg3[%add3A_4] : memref<4096xi32, #tpu.memory_space<hbm>> -> memref<64xi32, #tpu.memory_space<hbm>>
      %dma_start3A_20 = tpu.memref_slice %arg3[%add3A_4] : memref<4096xi32, #tpu.memory_space<hbm>> -> memref<64xi32, #tpu.memory_space<hbm>>
      tpu.enqueue_dma source(%dma_start3A_20 : memref<64xi32, #tpu.memory_space<hbm>>) target(%arg5 : memref<64xi32, #tpu.memory_space<vmem>>) target_semaphore(%run_scoped3A : memref<!tpu.dma_semaphore, #tpu.memory_space<semaphore_mem>>)
      %dma_wait3A_21 = tpu.memref_slice %arg3[%add3A_4] : memref<4096xi32, #tpu.memory_space<hbm>> -> memref<64xi32, #tpu.memory_space<hbm>>
      %dma_wait3A_22 = tpu.memref_slice %arg3[%add3A_4] : memref<4096xi32, #tpu.memory_space<hbm>> -> memref<64xi32, #tpu.memory_space<hbm>>
      tpu.wait_dma2 semaphore(%run_scoped3A : memref<!tpu.dma_semaphore, #tpu.memory_space<semaphore_mem>>) src(%dma_wait3A_22 : memref<64xi32, #tpu.memory_space<hbm>>) dst(%arg5 : memref<64xi32, #tpu.memory_space<vmem>>)
      tpu.yield
    }) : () -> ()
    %dma_start3A = arith.constant 0 : i32
    %dma_start3A_5 = arith.constant 0 : i32
    %dma_start3A_6 = tpu.memref_slice %arg2[%dma_start3A, %dma_start3A_5] : memref<8192x1024xf32, #tpu.memory_space<hbm>> -> memref<8192x1024xf32, #tpu.memory_space<hbm>>
    tpu.enqueue_indirect_dma source(%dma_start3A_6 : memref<8192x1024xf32, #tpu.memory_space<hbm>>) target(%arg6 : memref<64x1024xf32, #tpu.memory_space<vmem>>) offsets(%arg5 : memref<64xi32, #tpu.memory_space<vmem>>) semaphore(%arg7 : memref<!tpu.dma_semaphore, #tpu.memory_space<semaphore_mem>>)
    %dma_wait3A = arith.constant 0 : i32
    %dma_wait3A_7 = arith.constant 0 : i32
    %dma_wait3A_8 = tpu.memref_slice %arg2[%dma_wait3A, %dma_wait3A_7] : memref<8192x1024xf32, #tpu.memory_space<hbm>> -> memref<8192x1024xf32, #tpu.memory_space<hbm>>
    tpu.wait_indirect_dma semaphore(%arg7 : memref<!tpu.dma_semaphore, #tpu.memory_space<semaphore_mem>>) src(%dma_wait3A_8 : memref<8192x1024xf32, #tpu.memory_space<hbm>>) dst(%arg6 : memref<64x1024xf32, #tpu.memory_space<vmem>>)
    "tpu.region"() ({
      %run_scoped3A = tpu.sem_alloc : memref<!tpu.dma_semaphore, #tpu.memory_space<semaphore_mem>>
      %dma_start3A_19 = arith.constant 0 : i32
      %dma_start3A_20 = tpu.memref_slice %arg4[%add3A_4, %dma_start3A_19] : memref<4096x1024xf32, #tpu.memory_space<hbm>> -> memref<64x1024xf32, #tpu.memory_space<hbm>>
      %dma_start3A_21 = arith.constant 0 : i32
      %dma_start3A_22 = tpu.memref_slice %arg4[%add3A_4, %dma_start3A_21] : memref<4096x1024xf32, #tpu.memory_space<hbm>> -> memref<64x1024xf32, #tpu.memory_space<hbm>>
      tpu.enqueue_dma source(%arg6 : memref<64x1024xf32, #tpu.memory_space<vmem>>) target(%dma_start3A_22 : memref<64x1024xf32, #tpu.memory_space<hbm>>) target_semaphore(%run_scoped3A : memref<!tpu.dma_semaphore, #tpu.memory_space<semaphore_mem>>)
      %dma_wait3A_23 = arith.constant 0 : i32
      %dma_wait3A_24 = tpu.memref_slice %arg4[%add3A_4, %dma_wait3A_23] : memref<4096x1024xf32, #tpu.memory_space<hbm>> -> memref<64x1024xf32, #tpu.memory_space<hbm>>
      %dma_wait3A_25 = arith.constant 0 : i32
      %dma_wait3A_26 = tpu.memref_slice %arg4[%add3A_4, %dma_wait3A_25] : memref<4096x1024xf32, #tpu.memory_space<hbm>> -> memref<64x1024xf32, #tpu.memory_space<hbm>>
      tpu.wait_dma2 semaphore(%run_scoped3A : memref<!tpu.dma_semaphore, #tpu.memory_space<semaphore_mem>>) src(%arg6 : memref<64x1024xf32, #tpu.memory_space<vmem>>) dst(%dma_wait3A_26 : memref<64x1024xf32, #tpu.memory_space<hbm>>)
      tpu.yield
    }) : () -> ()
    %mul3A_9 = arith.constant 128 : i32
    %mul3A_10 = arith.muli %add3A, %mul3A_9 : i32
    %add3A_11 = arith.constant 64 : i32
    %add3A_12 = arith.addi %mul3A_10, %add3A_11 : i32
    "tpu.region"() ({
      %run_scoped3A = tpu.sem_alloc : memref<!tpu.dma_semaphore, #tpu.memory_space<semaphore_mem>>
      %dma_start3A_19 = tpu.memref_slice %arg3[%add3A_12] : memref<4096xi32, #tpu.memory_space<hbm>> -> memref<64xi32, #tpu.memory_space<hbm>>
      %dma_start3A_20 = tpu.memref_slice %arg3[%add3A_12] : memref<4096xi32, #tpu.memory_space<hbm>> -> memref<64xi32, #tpu.memory_space<hbm>>
      tpu.enqueue_dma source(%dma_start3A_20 : memref<64xi32, #tpu.memory_space<hbm>>) target(%arg5 : memref<64xi32, #tpu.memory_space<vmem>>) target_semaphore(%run_scoped3A : memref<!tpu.dma_semaphore, #tpu.memory_space<semaphore_mem>>)
      %dma_wait3A_21 = tpu.memref_slice %arg3[%add3A_12] : memref<4096xi32, #tpu.memory_space<hbm>> -> memref<64xi32, #tpu.memory_space<hbm>>
      %dma_wait3A_22 = tpu.memref_slice %arg3[%add3A_12] : memref<4096xi32, #tpu.memory_space<hbm>> -> memref<64xi32, #tpu.memory_space<hbm>>
      tpu.wait_dma2 semaphore(%run_scoped3A : memref<!tpu.dma_semaphore, #tpu.memory_space<semaphore_mem>>) src(%dma_wait3A_22 : memref<64xi32, #tpu.memory_space<hbm>>) dst(%arg5 : memref<64xi32, #tpu.memory_space<vmem>>)
      tpu.yield
    }) : () -> ()
    %dma_start3A_13 = arith.constant 0 : i32
    %dma_start3A_14 = arith.constant 0 : i32
    %dma_start3A_15 = tpu.memref_slice %arg2[%dma_start3A_13, %dma_start3A_14] : memref<8192x1024xf32, #tpu.memory_space<hbm>> -> memref<8192x1024xf32, #tpu.memory_space<hbm>>
    tpu.enqueue_indirect_dma source(%dma_start3A_15 : memref<8192x1024xf32, #tpu.memory_space<hbm>>) target(%arg6 : memref<64x1024xf32, #tpu.memory_space<vmem>>) offsets(%arg5 : memref<64xi32, #tpu.memory_space<vmem>>) semaphore(%arg7 : memref<!tpu.dma_semaphore, #tpu.memory_space<semaphore_mem>>)
    %dma_wait3A_16 = arith.constant 0 : i32
    %dma_wait3A_17 = arith.constant 0 : i32
    %dma_wait3A_18 = tpu.memref_slice %arg2[%dma_wait3A_16, %dma_wait3A_17] : memref<8192x1024xf32, #tpu.memory_space<hbm>> -> memref<8192x1024xf32, #tpu.memory_space<hbm>>
    tpu.wait_indirect_dma semaphore(%arg7 : memref<!tpu.dma_semaphore, #tpu.memory_space<semaphore_mem>>) src(%dma_wait3A_18 : memref<8192x1024xf32, #tpu.memory_space<hbm>>) dst(%arg6 : memref<64x1024xf32, #tpu.memory_space<vmem>>)
    "tpu.region"() ({
      %run_scoped3A = tpu.sem_alloc : memref<!tpu.dma_semaphore, #tpu.memory_space<semaphore_mem>>
      %dma_start3A_19 = arith.constant 0 : i32
      %dma_start3A_20 = tpu.memref_slice %arg4[%add3A_12, %dma_start3A_19] : memref<4096x1024xf32, #tpu.memory_space<hbm>> -> memref<64x1024xf32, #tpu.memory_space<hbm>>
      %dma_start3A_21 = arith.constant 0 : i32
      %dma_start3A_22 = tpu.memref_slice %arg4[%add3A_12, %dma_start3A_21] : memref<4096x1024xf32, #tpu.memory_space<hbm>> -> memref<64x1024xf32, #tpu.memory_space<hbm>>
      tpu.enqueue_dma source(%arg6 : memref<64x1024xf32, #tpu.memory_space<vmem>>) target(%dma_start3A_22 : memref<64x1024xf32, #tpu.memory_space<hbm>>) target_semaphore(%run_scoped3A : memref<!tpu.dma_semaphore, #tpu.memory_space<semaphore_mem>>)
      %dma_wait3A_23 = arith.constant 0 : i32
      %dma_wait3A_24 = tpu.memref_slice %arg4[%add3A_12, %dma_wait3A_23] : memref<4096x1024xf32, #tpu.memory_space<hbm>> -> memref<64x1024xf32, #tpu.memory_space<hbm>>
      %dma_wait3A_25 = arith.constant 0 : i32
      %dma_wait3A_26 = tpu.memref_slice %arg4[%add3A_12, %dma_wait3A_25] : memref<4096x1024xf32, #tpu.memory_space<hbm>> -> memref<64x1024xf32, #tpu.memory_space<hbm>>
      tpu.wait_dma2 semaphore(%run_scoped3A : memref<!tpu.dma_semaphore, #tpu.memory_space<semaphore_mem>>) src(%arg6 : memref<64x1024xf32, #tpu.memory_space<vmem>>) dst(%dma_wait3A_26 : memref<64x1024xf32, #tpu.memory_space<hbm>>)
      tpu.yield
    }) : () -> ()
    return
  }
}

module attributes {stable_mosaic.version = 14 : i64} {
  func.func @_attn_kernel(%arg0: i32, %arg1: i32, %arg2: memref<1x512x64xf32, #tpu.memory_space<vmem>>, %arg3: memref<1x2048x64xf32, #tpu.memory_space<vmem>>, %arg4: memref<1x2048x64xf32, #tpu.memory_space<vmem>>, %arg5: memref<1x512x64xf32, #tpu.memory_space<vmem>>) attributes {dimension_semantics = [#tpu.dimension_semantics<arbitrary>, #tpu.dimension_semantics<arbitrary>], iteration_bounds = array<i64: 16, 4>, scalar_prefetch = 0 : i64, scratch_operands = 0 : i64, tpu.core_type = #tpu.core_type<tc>, window_params = [{transform_indices = @transform_0, window_bounds = array<i64: 1, 512, 64>}, {transform_indices = @transform_1, window_bounds = array<i64: 1, 2048, 64>}, {transform_indices = @transform_2, window_bounds = array<i64: 1, 2048, 64>}, {transform_indices = @transform_3, window_bounds = array<i64: 1, 512, 64>}]} {
    %get3A = arith.constant 0 : index
    %get3A_0 = arith.constant 0 : index
    %get3A_1 = arith.constant 0 : index
    %get3A_2 = vector.load %arg2[%get3A, %get3A_0, %get3A_1] : memref<1x512x64xf32, #tpu.memory_space<vmem>>, vector<1x512x64xf32>
    %get3A_3 = vector.shape_cast %get3A_2 : vector<1x512x64xf32> to vector<512x64xf32>
    %get3A_4 = arith.constant 0 : index
    %get3A_5 = arith.constant 0 : index
    %get3A_6 = arith.constant 0 : index
    %get3A_7 = vector.load %arg3[%get3A_4, %get3A_5, %get3A_6] : memref<1x2048x64xf32, #tpu.memory_space<vmem>>, vector<1x2048x64xf32>
    %get3A_8 = vector.shape_cast %get3A_7 : vector<1x2048x64xf32> to vector<2048x64xf32>
    %dot_general3A = arith.constant dense<0.000000e+00> : vector<512x2048xf32>
    %dot_general3A_9 = tpu.matmul %get3A_3, %get3A_8, %dot_general3A {dimension_numbers = #tpu.dot_dimension_numbers<[1], [1], [0], [0], [0, 0, 1, 0], [], []>, transpose_lhs_hint = false} : vector<512x64xf32>, vector<2048x64xf32>, vector<512x2048xf32> -> vector<512x2048xf32>
    %mul3A = arith.constant 1.250000e-01 : f32
    %mul3A_10 = vector.broadcast %mul3A : f32 to vector<512x2048xf32>
    %mul3A_11 = arith.mulf %dot_general3A_9, %mul3A_10 : vector<512x2048xf32>
    %mul3A_12 = arith.constant 0.0333333351 : f32
    %mul3A_13 = vector.broadcast %mul3A_12 : f32 to vector<512x2048xf32>
    %mul3A_14 = arith.mulf %mul3A_11, %mul3A_13 : vector<512x2048xf32>
    %tanh3A = math.tanh %mul3A_14 : vector<512x2048xf32>
    %mul3A_15 = arith.constant 3.000000e+01 : f32
    %mul3A_16 = vector.broadcast %mul3A_15 : f32 to vector<512x2048xf32>
    %mul3A_17 = arith.mulf %mul3A_16, %tanh3A : vector<512x2048xf32>
    %reduce_max3A = arith.constant dense<0xFF800000> : vector<512xf32>
    %reduce_max3A_18 = vector.multi_reduction <maximumf>, %mul3A_17, %reduce_max3A [1] : vector<512x2048xf32> to vector<512xf32>
    %broadcast_in_dim3A = vector.shape_cast %reduce_max3A_18 : vector<512xf32> to vector<512x1xf32>
    %sub3A = vector.broadcast %broadcast_in_dim3A : vector<512x1xf32> to vector<512x2048xf32>
    %sub3A_19 = arith.subf %mul3A_17, %sub3A : vector<512x2048xf32>
    %exp3A = math.exp %sub3A_19 : vector<512x2048xf32>
    %reduce_sum3A = arith.constant dense<0.000000e+00> : vector<512xf32>
    %reduce_sum3A_20 = vector.multi_reduction <add>, %exp3A, %reduce_sum3A [1] : vector<512x2048xf32> to vector<512xf32>
    %broadcast_in_dim3A_21 = vector.shape_cast %reduce_sum3A_20 : vector<512xf32> to vector<512x1xf32>
    %div3A = vector.broadcast %broadcast_in_dim3A_21 : vector<512x1xf32> to vector<512x2048xf32>
    %div3A_22 = arith.divf %exp3A, %div3A : vector<512x2048xf32>
    %get3A_23 = arith.constant 0 : index
    %get3A_24 = arith.constant 0 : index
    %get3A_25 = arith.constant 0 : index
    %get3A_26 = vector.load %arg4[%get3A_23, %get3A_24, %get3A_25] : memref<1x2048x64xf32, #tpu.memory_space<vmem>>, vector<1x2048x64xf32>
    %get3A_27 = vector.shape_cast %get3A_26 : vector<1x2048x64xf32> to vector<2048x64xf32>
    %dot_general3A_28 = arith.constant dense<0.000000e+00> : vector<512x64xf32>
    %dot_general3A_29 = tpu.matmul %div3A_22, %get3A_27, %dot_general3A_28 {dimension_numbers = #tpu.dot_dimension_numbers<[1], [0], [0], [1], [0, 0, 1, 1], [], []>, transpose_lhs_hint = false} : vector<512x2048xf32>, vector<2048x64xf32>, vector<512x64xf32> -> vector<512x64xf32>
    %swap3A = arith.constant 0 : index
    %swap3A_30 = arith.constant 0 : index
    %swap3A_31 = arith.constant 0 : index
    %swap3A_32 = vector.load %arg5[%swap3A, %swap3A_30, %swap3A_31] : memref<1x512x64xf32, #tpu.memory_space<vmem>>, vector<1x512x64xf32>
    %swap3A_33 = vector.shape_cast %swap3A_32 : vector<1x512x64xf32> to vector<512x64xf32>
    %swap3A_34 = vector.shape_cast %dot_general3A_29 : vector<512x64xf32> to vector<1x512x64xf32>
    tpu.vector_store %arg5[%swap3A, %swap3A_30, %swap3A_31], %swap3A_34 {strides = array<i32>} : memref<1x512x64xf32, #tpu.memory_space<vmem>>, vector<1x512x64xf32>,
    return
  }
  func.func @transform_0(%arg0: i32, %arg1: i32) -> (i32, i32, i32) {
    %c0_i32 = arith.constant 0 : i32
    %c0_i32_0 = arith.constant 0 : i32
    return %arg0, %arg1, %c0_i32 : i32, i32, i32
  }
  func.func @transform_1(%arg0: i32, %arg1: i32) -> (i32, i32, i32) {
    %jit3A = arith.constant 2 : i32
    %div3A = arith.divsi %arg0, %jit3A : i32
    %sign3A = arith.constant 0 : i32
    %sign3A_0 = arith.cmpi sgt, %arg0, %sign3A : i32
    %sign3A_1 = arith.extui %sign3A_0 : i1 to i32
    %sign3A_2 = arith.constant 0 : i32
    %sign3A_3 = arith.cmpi slt, %arg0, %sign3A_2 : i32
    %sign3A_4 = arith.extui %sign3A_3 : i1 to i32
    %sign3A_5 = arith.subi %sign3A_1, %sign3A_4 : i32
    %sign3A_6 = arith.constant 0 : i32
    %sign3A_7 = arith.cmpi sgt, %jit3A, %sign3A_6 : i32
    %sign3A_8 = arith.extui %sign3A_7 : i1 to i32
    %sign3A_9 = arith.constant 0 : i32
    %sign3A_10 = arith.cmpi slt, %jit3A, %sign3A_9 : i32
    %sign3A_11 = arith.extui %sign3A_10 : i1 to i32
    %sign3A_12 = arith.subi %sign3A_8, %sign3A_11 : i32
    %ne3A = arith.cmpi ne, %sign3A_5, %sign3A_12 : i32
    %rem3A = arith.remsi %arg0, %jit3A : i32
    %ne3A_13 = arith.constant 0 : i32
    %ne3A_14 = arith.cmpi ne, %rem3A, %ne3A_13 : i32
    %and3A = arith.andi %ne3A, %ne3A_14 : i1
    %sub3A = arith.constant 1 : i32
    %sub3A_15 = arith.subi %div3A, %sub3A : i32
    %select_n3A = arith.select %and3A, %sub3A_15, %div3A : i32
    %c0_i32 = arith.constant 0 : i32
    %c0_i32_16 = arith.constant 0 : i32
    %c0_i32_17 = arith.constant 0 : i32
    return %select_n3A, %c0_i32, %c0_i32_16 : i32, i32, i32
  }
  func.func @transform_2(%arg0: i32, %arg1: i32) -> (i32, i32, i32) {
    %jit3A = arith.constant 2 : i32
    %div3A = arith.divsi %arg0, %jit3A : i32
    %sign3A = arith.constant 0 : i32
    %sign3A_0 = arith.cmpi sgt, %arg0, %sign3A : i32
    %sign3A_1 = arith.extui %sign3A_0 : i1 to i32
    %sign3A_2 = arith.constant 0 : i32
    %sign3A_3 = arith.cmpi slt, %arg0, %sign3A_2 : i32
    %sign3A_4 = arith.extui %sign3A_3 : i1 to i32
    %sign3A_5 = arith.subi %sign3A_1, %sign3A_4 : i32
    %sign3A_6 = arith.constant 0 : i32
    %sign3A_7 = arith.cmpi sgt, %jit3A, %sign3A_6 : i32
    %sign3A_8 = arith.extui %sign3A_7 : i1 to i32
    %sign3A_9 = arith.constant 0 : i32
    %sign3A_10 = arith.cmpi slt, %jit3A, %sign3A_9 : i32
    %sign3A_11 = arith.extui %sign3A_10 : i1 to i32
    %sign3A_12 = arith.subi %sign3A_8, %sign3A_11 : i32
    %ne3A = arith.cmpi ne, %sign3A_5, %sign3A_12 : i32
    %rem3A = arith.remsi %arg0, %jit3A : i32
    %ne3A_13 = arith.constant 0 : i32
    %ne3A_14 = arith.cmpi ne, %rem3A, %ne3A_13 : i32
    %and3A = arith.andi %ne3A, %ne3A_14 : i1
    %sub3A = arith.constant 1 : i32
    %sub3A_15 = arith.subi %div3A, %sub3A : i32
    %select_n3A = arith.select %and3A, %sub3A_15, %div3A : i32
    %c0_i32 = arith.constant 0 : i32
    %c0_i32_16 = arith.constant 0 : i32
    %c0_i32_17 = arith.constant 0 : i32
    return %select_n3A, %c0_i32, %c0_i32_16 : i32, i32, i32
  }
  func.func @transform_3(%arg0: i32, %arg1: i32) -> (i32, i32, i32) {
    %c0_i32 = arith.constant 0 : i32
    %c0_i32_0 = arith.constant 0 : i32
    return %arg0, %arg1, %c0_i32 : i32, i32, i32
  }
}

module attributes {stable_mosaic.version = 14 : i64} {
  func.func @_post_attn_kernel(%arg0: i32, %arg1: memref<16x512x64xf32, #tpu.memory_space<vmem>>, %arg2: memref<1024x1024xf32, #tpu.memory_space<vmem>>, %arg3: memref<512x1024xf32, #tpu.memory_space<vmem>>, %arg4: memref<1x1024xf32, #tpu.memory_space<vmem>>, %arg5: memref<1x1024xf32, #tpu.memory_space<vmem>>, %arg6: memref<1024x8xf32, #tpu.memory_space<vmem>>, %arg7: memref<512x1024xf32, #tpu.memory_space<vmem>>, %arg8: memref<512x1024xf32, #tpu.memory_space<vmem>>, %arg9: memref<512x1xf32, #tpu.memory_space<vmem>>, %arg10: memref<512x1xf32, #tpu.memory_space<vmem>>, %arg11: memref<512x1xi32, #tpu.memory_space<vmem>>, %arg12: memref<512x1xi32, #tpu.memory_space<vmem>>) attributes {dimension_semantics = [#tpu.dimension_semantics<arbitrary>], iteration_bounds = array<i64: 4>, scalar_prefetch = 0 : i64, scratch_operands = 0 : i64, tpu.core_type = #tpu.core_type<tc>, window_params = [{transform_indices = @transform_0, window_bounds = array<i64: 16, 512, 64>}, {pipeline_mode = #tpu.pipeline_mode<synchronous>, transform_indices = @transform_1, window_bounds = array<i64: 1024, 1024>}, {transform_indices = @transform_2, window_bounds = array<i64: 512, 1024>}, {pipeline_mode = #tpu.pipeline_mode<synchronous>, transform_indices = @transform_3, window_bounds = array<i64: 1, 1024>}, {pipeline_mode = #tpu.pipeline_mode<synchronous>, transform_indices = @transform_4, window_bounds = array<i64: 1, 1024>}, {pipeline_mode = #tpu.pipeline_mode<synchronous>, transform_indices = @transform_5, window_bounds = array<i64: 1024, 8>}, {transform_indices = @transform_6, window_bounds = array<i64: 512, 1024>}, {transform_indices = @transform_7, window_bounds = array<i64: 512, 1024>}, {transform_indices = @transform_8, window_bounds = array<i64: 512, 1>}, {transform_indices = @transform_9, window_bounds = array<i64: 512, 1>}, {transform_indices = @transform_10, window_bounds = array<i64: 512, 1>}, {transform_indices = @transform_11, window_bounds = array<i64: 512, 1>}]} {
    %get3A = arith.constant 0 : index
    %get3A_0 = arith.constant 0 : index
    %get3A_1 = arith.constant 0 : index
    %get3A_2 = vector.load %arg1[%get3A, %get3A_0, %get3A_1] : memref<16x512x64xf32, #tpu.memory_space<vmem>>, vector<1x512x64xf32>
    %get3A_3 = vector.shape_cast %get3A_2 : vector<1x512x64xf32> to vector<512x64xf32>
    %get3A_4 = arith.constant 1 : index
    %get3A_5 = arith.constant 0 : index
    %get3A_6 = arith.constant 0 : index
    %get3A_7 = vector.load %arg1[%get3A_4, %get3A_5, %get3A_6] : memref<16x512x64xf32, #tpu.memory_space<vmem>>, vector<1x512x64xf32>
    %get3A_8 = vector.shape_cast %get3A_7 : vector<1x512x64xf32> to vector<512x64xf32>
    %get3A_9 = arith.constant 2 : index
    %get3A_10 = arith.constant 0 : index
    %get3A_11 = arith.constant 0 : index
    %get3A_12 = vector.load %arg1[%get3A_9, %get3A_10, %get3A_11] : memref<16x512x64xf32, #tpu.memory_space<vmem>>, vector<1x512x64xf32>
    %get3A_13 = vector.shape_cast %get3A_12 : vector<1x512x64xf32> to vector<512x64xf32>
    %get3A_14 = arith.constant 3 : index
    %get3A_15 = arith.constant 0 : index
    %get3A_16 = arith.constant 0 : index
    %get3A_17 = vector.load %arg1[%get3A_14, %get3A_15, %get3A_16] : memref<16x512x64xf32, #tpu.memory_space<vmem>>, vector<1x512x64xf32>
    %get3A_18 = vector.shape_cast %get3A_17 : vector<1x512x64xf32> to vector<512x64xf32>
    %get3A_19 = arith.constant 4 : index
    %get3A_20 = arith.constant 0 : index
    %get3A_21 = arith.constant 0 : index
    %get3A_22 = vector.load %arg1[%get3A_19, %get3A_20, %get3A_21] : memref<16x512x64xf32, #tpu.memory_space<vmem>>, vector<1x512x64xf32>
    %get3A_23 = vector.shape_cast %get3A_22 : vector<1x512x64xf32> to vector<512x64xf32>
    %get3A_24 = arith.constant 5 : index
    %get3A_25 = arith.constant 0 : index
    %get3A_26 = arith.constant 0 : index
    %get3A_27 = vector.load %arg1[%get3A_24, %get3A_25, %get3A_26] : memref<16x512x64xf32, #tpu.memory_space<vmem>>, vector<1x512x64xf32>
    %get3A_28 = vector.shape_cast %get3A_27 : vector<1x512x64xf32> to vector<512x64xf32>
    %get3A_29 = arith.constant 6 : index
    %get3A_30 = arith.constant 0 : index
    %get3A_31 = arith.constant 0 : index
    %get3A_32 = vector.load %arg1[%get3A_29, %get3A_30, %get3A_31] : memref<16x512x64xf32, #tpu.memory_space<vmem>>, vector<1x512x64xf32>
    %get3A_33 = vector.shape_cast %get3A_32 : vector<1x512x64xf32> to vector<512x64xf32>
    %get3A_34 = arith.constant 7 : index
    %get3A_35 = arith.constant 0 : index
    %get3A_36 = arith.constant 0 : index
    %get3A_37 = vector.load %arg1[%get3A_34, %get3A_35, %get3A_36] : memref<16x512x64xf32, #tpu.memory_space<vmem>>, vector<1x512x64xf32>
    %get3A_38 = vector.shape_cast %get3A_37 : vector<1x512x64xf32> to vector<512x64xf32>
    %get3A_39 = arith.constant 8 : index
    %get3A_40 = arith.constant 0 : index
    %get3A_41 = arith.constant 0 : index
    %get3A_42 = vector.load %arg1[%get3A_39, %get3A_40, %get3A_41] : memref<16x512x64xf32, #tpu.memory_space<vmem>>, vector<1x512x64xf32>
    %get3A_43 = vector.shape_cast %get3A_42 : vector<1x512x64xf32> to vector<512x64xf32>
    %get3A_44 = arith.constant 9 : index
    %get3A_45 = arith.constant 0 : index
    %get3A_46 = arith.constant 0 : index
    %get3A_47 = vector.load %arg1[%get3A_44, %get3A_45, %get3A_46] : memref<16x512x64xf32, #tpu.memory_space<vmem>>, vector<1x512x64xf32>
    %get3A_48 = vector.shape_cast %get3A_47 : vector<1x512x64xf32> to vector<512x64xf32>
    %get3A_49 = arith.constant 10 : index
    %get3A_50 = arith.constant 0 : index
    %get3A_51 = arith.constant 0 : index
    %get3A_52 = vector.load %arg1[%get3A_49, %get3A_50, %get3A_51] : memref<16x512x64xf32, #tpu.memory_space<vmem>>, vector<1x512x64xf32>
    %get3A_53 = vector.shape_cast %get3A_52 : vector<1x512x64xf32> to vector<512x64xf32>
    %get3A_54 = arith.constant 11 : index
    %get3A_55 = arith.constant 0 : index
    %get3A_56 = arith.constant 0 : index
    %get3A_57 = vector.load %arg1[%get3A_54, %get3A_55, %get3A_56] : memref<16x512x64xf32, #tpu.memory_space<vmem>>, vector<1x512x64xf32>
    %get3A_58 = vector.shape_cast %get3A_57 : vector<1x512x64xf32> to vector<512x64xf32>
    %get3A_59 = arith.constant 12 : index
    %get3A_60 = arith.constant 0 : index
    %get3A_61 = arith.constant 0 : index
    %get3A_62 = vector.load %arg1[%get3A_59, %get3A_60, %get3A_61] : memref<16x512x64xf32, #tpu.memory_space<vmem>>, vector<1x512x64xf32>
    %get3A_63 = vector.shape_cast %get3A_62 : vector<1x512x64xf32> to vector<512x64xf32>
    %get3A_64 = arith.constant 13 : index
    %get3A_65 = arith.constant 0 : index
    %get3A_66 = arith.constant 0 : index
    %get3A_67 = vector.load %arg1[%get3A_64, %get3A_65, %get3A_66] : memref<16x512x64xf32, #tpu.memory_space<vmem>>, vector<1x512x64xf32>
    %get3A_68 = vector.shape_cast %get3A_67 : vector<1x512x64xf32> to vector<512x64xf32>
    %get3A_69 = arith.constant 14 : index
    %get3A_70 = arith.constant 0 : index
    %get3A_71 = arith.constant 0 : index
    %get3A_72 = vector.load %arg1[%get3A_69, %get3A_70, %get3A_71] : memref<16x512x64xf32, #tpu.memory_space<vmem>>, vector<1x512x64xf32>
    %get3A_73 = vector.shape_cast %get3A_72 : vector<1x512x64xf32> to vector<512x64xf32>
    %get3A_74 = arith.constant 15 : index
    %get3A_75 = arith.constant 0 : index
    %get3A_76 = arith.constant 0 : index
    %get3A_77 = vector.load %arg1[%get3A_74, %get3A_75, %get3A_76] : memref<16x512x64xf32, #tpu.memory_space<vmem>>, vector<1x512x64xf32>
    %get3A_78 = vector.shape_cast %get3A_77 : vector<1x512x64xf32> to vector<512x64xf32>
    %concatenate3A = tpu.concatenate %get3A_3, %get3A_8, %get3A_13, %get3A_18, %get3A_23, %get3A_28, %get3A_33, %get3A_38, %get3A_43, %get3A_48, %get3A_53, %get3A_58, %get3A_63, %get3A_68, %get3A_73, %get3A_78 in 1 : vector<512x64xf32>, vector<512x64xf32>, vector<512x64xf32>, vector<512x64xf32>, vector<512x64xf32>, vector<512x64xf32>, vector<512x64xf32>, vector<512x64xf32>, vector<512x64xf32>, vector<512x64xf32>, vector<512x64xf32>, vector<512x64xf32>, vector<512x64xf32>, vector<512x64xf32>, vector<512x64xf32>, vector<512x64xf32> -> vector<512x1024xf32>
    %convert_element_type3A = arith.truncf %concatenate3A : vector<512x1024xf32> to vector<512x1024xbf16>
    %convert_element_type3A_79 = arith.extf %convert_element_type3A : vector<512x1024xbf16> to vector<512x1024xf32>
    %get3A_80 = arith.constant 0 : index
    %get3A_81 = arith.constant 0 : index
    %get3A_82 = vector.load %arg2[%get3A_80, %get3A_81] : memref<1024x1024xf32, #tpu.memory_space<vmem>>, vector<1024x1024xf32>
    %dot_general3A = arith.constant dense<0.000000e+00> : vector<512x1024xf32>
    %dot_general3A_83 = tpu.matmul %convert_element_type3A_79, %get3A_82, %dot_general3A {dimension_numbers = #tpu.dot_dimension_numbers<[1], [0], [0], [1], [0, 0, 1, 1], [], []>, precision = #tpu.contract_precision<fp32>, transpose_lhs_hint = false} : vector<512x1024xf32>, vector<1024x1024xf32>, vector<512x1024xf32> -> vector<512x1024xf32>
    %mul3A = arith.mulf %dot_general3A_83, %dot_general3A_83 : vector<512x1024xf32>
    %reduce_sum3A = arith.constant dense<0.000000e+00> : vector<512xf32>
    %reduce_sum3A_84 = vector.multi_reduction <add>, %mul3A, %reduce_sum3A [1] : vector<512x1024xf32> to vector<512xf32>
    %broadcast_in_dim3A = vector.shape_cast %reduce_sum3A_84 : vector<512xf32> to vector<512x1xf32>
    %div3A = arith.constant 1.024000e+03 : f32
    %div3A_85 = vector.broadcast %div3A : f32 to vector<512x1xf32>
    %div3A_86 = arith.divf %broadcast_in_dim3A, %div3A_85 : vector<512x1xf32>
    %get3A_87 = arith.constant 0 : index
    %get3A_88 = arith.constant 0 : index
    %get3A_89 = vector.load %arg3[%get3A_87, %get3A_88] : memref<512x1024xf32, #tpu.memory_space<vmem>>, vector<512x1024xf32>
    %add3A = arith.constant 9.99999974E-6 : f32
    %add3A_90 = vector.broadcast %add3A : f32 to vector<512x1xf32>
    %add3A_91 = arith.addf %div3A_86, %add3A_90 : vector<512x1xf32>
    %rsqrt3A = math.rsqrt %add3A_91 : vector<512x1xf32>
    %mul3A_92 = vector.broadcast %rsqrt3A : vector<512x1xf32> to vector<512x1024xf32>
    %mul3A_93 = arith.mulf %dot_general3A_83, %mul3A_92 : vector<512x1024xf32>
    %get3A_94 = arith.constant 0 : index
    %get3A_95 = arith.constant 0 : index
    %get3A_96 = vector.load %arg4[%get3A_94, %get3A_95] : memref<1x1024xf32, #tpu.memory_space<vmem>>, vector<1x1024xf32>
    %mul3A_97 = vector.broadcast %get3A_96 : vector<1x1024xf32> to vector<512x1024xf32>
    %mul3A_98 = arith.mulf %mul3A_93, %mul3A_97 : vector<512x1024xf32>
    %add3A_99 = arith.addf %get3A_89, %mul3A_98 : vector<512x1024xf32>
    %swap3A = arith.constant 0 : index
    %swap3A_100 = arith.constant 0 : index
    %swap3A_101 = vector.load %arg7[%swap3A, %swap3A_100] : memref<512x1024xf32, #tpu.memory_space<vmem>>, vector<512x1024xf32>
    tpu.vector_store %arg7[%swap3A, %swap3A_100], %add3A_99 {strides = array<i32>} : memref<512x1024xf32, #tpu.memory_space<vmem>>, vector<512x1024xf32>,
    %mul3A_102 = arith.mulf %add3A_99, %add3A_99 : vector<512x1024xf32>
    %reduce_sum3A_103 = arith.constant dense<0.000000e+00> : vector<512xf32>
    %reduce_sum3A_104 = vector.multi_reduction <add>, %mul3A_102, %reduce_sum3A_103 [1] : vector<512x1024xf32> to vector<512xf32>
    %broadcast_in_dim3A_105 = vector.shape_cast %reduce_sum3A_104 : vector<512xf32> to vector<512x1xf32>
    %div3A_106 = arith.constant 1.024000e+03 : f32
    %div3A_107 = vector.broadcast %div3A_106 : f32 to vector<512x1xf32>
    %div3A_108 = arith.divf %broadcast_in_dim3A_105, %div3A_107 : vector<512x1xf32>
    %add3A_109 = arith.constant 9.99999974E-6 : f32
    %add3A_110 = vector.broadcast %add3A_109 : f32 to vector<512x1xf32>
    %add3A_111 = arith.addf %div3A_108, %add3A_110 : vector<512x1xf32>
    %rsqrt3A_112 = math.rsqrt %add3A_111 : vector<512x1xf32>
    %mul3A_113 = vector.broadcast %rsqrt3A_112 : vector<512x1xf32> to vector<512x1024xf32>
    %mul3A_114 = arith.mulf %add3A_99, %mul3A_113 : vector<512x1024xf32>
    %get3A_115 = arith.constant 0 : index
    %get3A_116 = arith.constant 0 : index
    %get3A_117 = vector.load %arg5[%get3A_115, %get3A_116] : memref<1x1024xf32, #tpu.memory_space<vmem>>, vector<1x1024xf32>
    %mul3A_118 = vector.broadcast %get3A_117 : vector<1x1024xf32> to vector<512x1024xf32>
    %mul3A_119 = arith.mulf %mul3A_114, %mul3A_118 : vector<512x1024xf32>
    %swap3A_120 = arith.constant 0 : index
    %swap3A_121 = arith.constant 0 : index
    %swap3A_122 = vector.load %arg8[%swap3A_120, %swap3A_121] : memref<512x1024xf32, #tpu.memory_space<vmem>>, vector<512x1024xf32>
    tpu.vector_store %arg8[%swap3A_120, %swap3A_121], %mul3A_119 {strides = array<i32>} : memref<512x1024xf32, #tpu.memory_space<vmem>>, vector<512x1024xf32>,
    %convert_element_type3A_123 = arith.truncf %mul3A_119 : vector<512x1024xf32> to vector<512x1024xbf16>
    %convert_element_type3A_124 = arith.extf %convert_element_type3A_123 : vector<512x1024xbf16> to vector<512x1024xf32>
    %get3A_125 = arith.constant 0 : index
    %get3A_126 = arith.constant 0 : index
    %get3A_127 = vector.load %arg6[%get3A_125, %get3A_126] : memref<1024x8xf32, #tpu.memory_space<vmem>>, vector<1024x8xf32>
    %dot_general3A_128 = arith.constant dense<0.000000e+00> : vector<512x8xf32>
    %dot_general3A_129 = tpu.matmul %convert_element_type3A_124, %get3A_127, %dot_general3A_128 {dimension_numbers = #tpu.dot_dimension_numbers<[1], [0], [0], [1], [0, 0, 1, 1], [], []>, precision = #tpu.contract_precision<fp32>, transpose_lhs_hint = false} : vector<512x1024xf32>, vector<1024x8xf32>, vector<512x8xf32> -> vector<512x8xf32>
    %iota3A = tpu.iota {dimensions = array<i32: 1>} : vector<512x8xi32>
    %reduce_max3A = arith.constant dense<0xFF800000> : vector<512xf32>
    %reduce_max3A_130 = vector.multi_reduction <maximumf>, %dot_general3A_129, %reduce_max3A [1] : vector<512x8xf32> to vector<512xf32>
    %broadcast_in_dim3A_131 = vector.shape_cast %reduce_max3A_130 : vector<512xf32> to vector<512x1xf32>
    %eq3A = vector.broadcast %broadcast_in_dim3A_131 : vector<512x1xf32> to vector<512x8xf32>
    %eq3A_132 = arith.cmpf oeq, %dot_general3A_129, %eq3A : vector<512x8xf32>
    %jit3A = arith.constant 8 : i32
    %broadcast_in_dim3A_133 = vector.broadcast %jit3A : i32 to vector<512x8xi32>
    %select_n3A = arith.select %eq3A_132, %iota3A, %broadcast_in_dim3A_133 : vector<512x8xi1>, vector<512x8xi32>
    %reduce_min3A = arith.constant dense<2147483647> : vector<512xi32>
    %reduce_min3A_134 = vector.multi_reduction <minsi>, %select_n3A, %reduce_min3A [1] : vector<512x8xi32> to vector<512xi32>
    %broadcast_in_dim3A_135 = vector.shape_cast %reduce_min3A_134 : vector<512xi32> to vector<512x1xi32>
    %eq3A_136 = vector.broadcast %broadcast_in_dim3A_135 : vector<512x1xi32> to vector<512x8xi32>
    %eq3A_137 = arith.cmpi eq, %iota3A, %eq3A_136 : vector<512x8xi32>
    %jit3A_138 = arith.constant 0xFF800000 : f32
    %broadcast_in_dim3A_139 = vector.broadcast %jit3A_138 : f32 to vector<512x8xf32>
    %select_n3A_140 = arith.select %eq3A_137, %broadcast_in_dim3A_139, %dot_general3A_129 : vector<512x8xi1>, vector<512x8xf32>
    %reduce_max3A_141 = arith.constant dense<0xFF800000> : vector<512xf32>
    %reduce_max3A_142 = vector.multi_reduction <maximumf>, %select_n3A_140, %reduce_max3A_141 [1] : vector<512x8xf32> to vector<512xf32>
    %broadcast_in_dim3A_143 = vector.shape_cast %reduce_max3A_142 : vector<512xf32> to vector<512x1xf32>
    %eq3A_144 = vector.broadcast %broadcast_in_dim3A_143 : vector<512x1xf32> to vector<512x8xf32>
    %eq3A_145 = arith.cmpf oeq, %select_n3A_140, %eq3A_144 : vector<512x8xf32>
    %jit3A_146 = arith.constant 8 : i32
    %broadcast_in_dim3A_147 = vector.broadcast %jit3A_146 : i32 to vector<512x8xi32>
    %select_n3A_148 = arith.select %eq3A_145, %iota3A, %broadcast_in_dim3A_147 : vector<512x8xi1>, vector<512x8xi32>
    %reduce_min3A_149 = arith.constant dense<2147483647> : vector<512xi32>
    %reduce_min3A_150 = vector.multi_reduction <minsi>, %select_n3A_148, %reduce_min3A_149 [1] : vector<512x8xi32> to vector<512xi32>
    %broadcast_in_dim3A_151 = vector.shape_cast %reduce_min3A_150 : vector<512xi32> to vector<512x1xi32>
    %sub3A = arith.subf %broadcast_in_dim3A_143, %broadcast_in_dim3A_131 : vector<512x1xf32>
    %exp3A = math.exp %sub3A : vector<512x1xf32>
    %add3A_152 = arith.constant 1.000000e+00 : f32
    %add3A_153 = vector.broadcast %add3A_152 : f32 to vector<512x1xf32>
    %add3A_154 = arith.addf %add3A_153, %exp3A : vector<512x1xf32>
    %div3A_155 = arith.constant 1.000000e+00 : f32
    %div3A_156 = vector.broadcast %div3A_155 : f32 to vector<512x1xf32>
    %div3A_157 = arith.divf %div3A_156, %add3A_154 : vector<512x1xf32>
    %swap3A_158 = arith.constant 0 : index
    %swap3A_159 = arith.constant 0 : index
    %swap3A_160 = vector.load %arg9[%swap3A_158, %swap3A_159] : memref<512x1xf32, #tpu.memory_space<vmem>>, vector<512x1xf32>
    tpu.vector_store %arg9[%swap3A_158, %swap3A_159], %div3A_157 {strides = array<i32>} : memref<512x1xf32, #tpu.memory_space<vmem>>, vector<512x1xf32>,
    %sub3A_161 = arith.constant 1.000000e+00 : f32
    %sub3A_162 = vector.broadcast %sub3A_161 : f32 to vector<512x1xf32>
    %sub3A_163 = arith.subf %sub3A_162, %div3A_157 : vector<512x1xf32>
    %swap3A_164 = arith.constant 0 : index
    %swap3A_165 = arith.constant 0 : index
    %swap3A_166 = vector.load %arg10[%swap3A_164, %swap3A_165] : memref<512x1xf32, #tpu.memory_space<vmem>>, vector<512x1xf32>
    tpu.vector_store %arg10[%swap3A_164, %swap3A_165], %sub3A_163 {strides = array<i32>} : memref<512x1xf32, #tpu.memory_space<vmem>>, vector<512x1xf32>,
    %swap3A_167 = arith.constant 0 : index
    %swap3A_168 = arith.constant 0 : index
    %swap3A_169 = vector.load %arg11[%swap3A_167, %swap3A_168] : memref<512x1xi32, #tpu.memory_space<vmem>>, vector<512x1xi32>
    tpu.vector_store %arg11[%swap3A_167, %swap3A_168], %broadcast_in_dim3A_135 {strides = array<i32>} : memref<512x1xi32, #tpu.memory_space<vmem>>, vector<512x1xi32>,
    %swap3A_170 = arith.constant 0 : index
    %swap3A_171 = arith.constant 0 : index
    %swap3A_172 = vector.load %arg12[%swap3A_170, %swap3A_171] : memref<512x1xi32, #tpu.memory_space<vmem>>, vector<512x1xi32>
    tpu.vector_store %arg12[%swap3A_170, %swap3A_171], %broadcast_in_dim3A_151 {strides = array<i32>} : memref<512x1xi32, #tpu.memory_space<vmem>>, vector<512x1xi32>,
    return
  }
  func.func @transform_0(%arg0: i32) -> (i32, i32, i32) {
    %c0_i32 = arith.constant 0 : i32
    %c0_i32_0 = arith.constant 0 : i32
    %c0_i32_1 = arith.constant 0 : i32
    return %c0_i32, %arg0, %c0_i32_0 : i32, i32, i32
  }
  func.func @transform_1(%arg0: i32) -> (i32, i32) {
    %c0_i32 = arith.constant 0 : i32
    %c0_i32_0 = arith.constant 0 : i32
    %c0_i32_1 = arith.constant 0 : i32
    return %c0_i32, %c0_i32_0 : i32, i32
  }
  func.func @transform_2(%arg0: i32) -> (i32, i32) {
    %c0_i32 = arith.constant 0 : i32
    %c0_i32_0 = arith.constant 0 : i32
    return %arg0, %c0_i32 : i32, i32
  }
  func.func @transform_3(%arg0: i32) -> (i32, i32) {
    %c0_i32 = arith.constant 0 : i32
    %c0_i32_0 = arith.constant 0 : i32
    %c0_i32_1 = arith.constant 0 : i32
    return %c0_i32, %c0_i32_0 : i32, i32
  }
  func.func @transform_4(%arg0: i32) -> (i32, i32) {
    %c0_i32 = arith.constant 0 : i32
    %c0_i32_0 = arith.constant 0 : i32
    %c0_i32_1 = arith.constant 0 : i32
    return %c0_i32, %c0_i32_0 : i32, i32
  }
  func.func @transform_5(%arg0: i32) -> (i32, i32) {
    %c0_i32 = arith.constant 0 : i32
    %c0_i32_0 = arith.constant 0 : i32
    %c0_i32_1 = arith.constant 0 : i32
    return %c0_i32, %c0_i32_0 : i32, i32
  }
  func.func @transform_6(%arg0: i32) -> (i32, i32) {
    %c0_i32 = arith.constant 0 : i32
    %c0_i32_0 = arith.constant 0 : i32
    return %arg0, %c0_i32 : i32, i32
  }
  func.func @transform_7(%arg0: i32) -> (i32, i32) {
    %c0_i32 = arith.constant 0 : i32
    %c0_i32_0 = arith.constant 0 : i32
    return %arg0, %c0_i32 : i32, i32
  }
  func.func @transform_8(%arg0: i32) -> (i32, i32) {
    %c0_i32 = arith.constant 0 : i32
    %c0_i32_0 = arith.constant 0 : i32
    return %arg0, %c0_i32 : i32, i32
  }
  func.func @transform_9(%arg0: i32) -> (i32, i32) {
    %c0_i32 = arith.constant 0 : i32
    %c0_i32_0 = arith.constant 0 : i32
    return %arg0, %c0_i32 : i32, i32
  }
  func.func @transform_10(%arg0: i32) -> (i32, i32) {
    %c0_i32 = arith.constant 0 : i32
    %c0_i32_0 = arith.constant 0 : i32
    return %arg0, %c0_i32 : i32, i32
  }
  func.func @transform_11(%arg0: i32) -> (i32, i32) {
    %c0_i32 = arith.constant 0 : i32
    %c0_i32_0 = arith.constant 0 : i32
    return %arg0, %c0_i32 : i32, i32
  }
}

module attributes {stable_mosaic.version = 14 : i64} {
  func.func @_qkv_kernel(%arg0: i32, %arg1: memref<512x1024xf32, #tpu.memory_space<vmem>>, %arg2: memref<1024x1024xf32, #tpu.memory_space<vmem>>, %arg3: memref<1024x512xf32, #tpu.memory_space<vmem>>, %arg4: memref<1024x512xf32, #tpu.memory_space<vmem>>, %arg5: memref<1x1024xf32, #tpu.memory_space<vmem>>, %arg6: memref<512x1xi32, #tpu.memory_space<vmem>>, %arg7: memref<16x512x64xf32, #tpu.memory_space<vmem>>, %arg8: memref<8x512x64xf32, #tpu.memory_space<vmem>>, %arg9: memref<8x512x64xf32, #tpu.memory_space<vmem>>) attributes {dimension_semantics = [#tpu.dimension_semantics<arbitrary>], iteration_bounds = array<i64: 4>, scalar_prefetch = 0 : i64, scratch_operands = 0 : i64, tpu.core_type = #tpu.core_type<tc>, window_params = [{transform_indices = @transform_0, window_bounds = array<i64: 512, 1024>}, {pipeline_mode = #tpu.pipeline_mode<synchronous>, transform_indices = @transform_1, window_bounds = array<i64: 1024, 1024>}, {pipeline_mode = #tpu.pipeline_mode<synchronous>, transform_indices = @transform_2, window_bounds = array<i64: 1024, 512>}, {pipeline_mode = #tpu.pipeline_mode<synchronous>, transform_indices = @transform_3, window_bounds = array<i64: 1024, 512>}, {pipeline_mode = #tpu.pipeline_mode<synchronous>, transform_indices = @transform_4, window_bounds = array<i64: 1, 1024>}, {transform_indices = @transform_5, window_bounds = array<i64: 512, 1>}, {transform_indices = @transform_6, window_bounds = array<i64: 16, 512, 64>}, {transform_indices = @transform_7, window_bounds = array<i64: 8, 512, 64>}, {transform_indices = @transform_8, window_bounds = array<i64: 8, 512, 64>}]} {
    %get3A = arith.constant 0 : index
    %get3A_0 = arith.constant 0 : index
    %get3A_1 = vector.load %arg1[%get3A, %get3A_0] : memref<512x1024xf32, #tpu.memory_space<vmem>>, vector<512x1024xf32>
    %mul3A = arith.mulf %get3A_1, %get3A_1 : vector<512x1024xf32>
    %reduce_sum3A = arith.constant dense<0.000000e+00> : vector<512xf32>
    %reduce_sum3A_2 = vector.multi_reduction <add>, %mul3A, %reduce_sum3A [1] : vector<512x1024xf32> to vector<512xf32>
    %broadcast_in_dim3A = vector.shape_cast %reduce_sum3A_2 : vector<512xf32> to vector<512x1xf32>
    %div3A = arith.constant 1.024000e+03 : f32
    %div3A_3 = vector.broadcast %div3A : f32 to vector<512x1xf32>
    %div3A_4 = arith.divf %broadcast_in_dim3A, %div3A_3 : vector<512x1xf32>
    %add3A = arith.constant 9.99999974E-6 : f32
    %add3A_5 = vector.broadcast %add3A : f32 to vector<512x1xf32>
    %add3A_6 = arith.addf %div3A_4, %add3A_5 : vector<512x1xf32>
    %rsqrt3A = math.rsqrt %add3A_6 : vector<512x1xf32>
    %mul3A_7 = vector.broadcast %rsqrt3A : vector<512x1xf32> to vector<512x1024xf32>
    %mul3A_8 = arith.mulf %get3A_1, %mul3A_7 : vector<512x1024xf32>
    %get3A_9 = arith.constant 0 : index
    %get3A_10 = arith.constant 0 : index
    %get3A_11 = vector.load %arg5[%get3A_9, %get3A_10] : memref<1x1024xf32, #tpu.memory_space<vmem>>, vector<1x1024xf32>
    %mul3A_12 = vector.broadcast %get3A_11 : vector<1x1024xf32> to vector<512x1024xf32>
    %mul3A_13 = arith.mulf %mul3A_8, %mul3A_12 : vector<512x1024xf32>
    %get3A_14 = arith.constant 0 : index
    %get3A_15 = arith.constant 0 : index
    %get3A_16 = vector.load %arg2[%get3A_14, %get3A_15] : memref<1024x1024xf32, #tpu.memory_space<vmem>>, vector<1024x1024xf32>
    %dot_general3A = arith.constant dense<0.000000e+00> : vector<512x1024xf32>
    %dot_general3A_17 = tpu.matmul %mul3A_13, %get3A_16, %dot_general3A {dimension_numbers = #tpu.dot_dimension_numbers<[1], [0], [0], [1], [0, 0, 1, 1], [], []>, transpose_lhs_hint = false} : vector<512x1024xf32>, vector<1024x1024xf32>, vector<512x1024xf32> -> vector<512x1024xf32>
    %get3A_18 = arith.constant 0 : index
    %get3A_19 = arith.constant 0 : index
    %get3A_20 = vector.load %arg3[%get3A_18, %get3A_19] : memref<1024x512xf32, #tpu.memory_space<vmem>>, vector<1024x512xf32>
    %dot_general3A_21 = arith.constant dense<0.000000e+00> : vector<512x512xf32>
    %dot_general3A_22 = tpu.matmul %mul3A_13, %get3A_20, %dot_general3A_21 {dimension_numbers = #tpu.dot_dimension_numbers<[1], [0], [0], [1], [0, 0, 1, 1], [], []>, transpose_lhs_hint = false} : vector<512x1024xf32>, vector<1024x512xf32>, vector<512x512xf32> -> vector<512x512xf32>
    %get3A_23 = arith.constant 0 : index
    %get3A_24 = arith.constant 0 : index
    %get3A_25 = vector.load %arg4[%get3A_23, %get3A_24] : memref<1024x512xf32, #tpu.memory_space<vmem>>, vector<1024x512xf32>
    %dot_general3A_26 = arith.constant dense<0.000000e+00> : vector<512x512xf32>
    %dot_general3A_27 = tpu.matmul %mul3A_13, %get3A_25, %dot_general3A_26 {dimension_numbers = #tpu.dot_dimension_numbers<[1], [0], [0], [1], [0, 0, 1, 1], [], []>, transpose_lhs_hint = false} : vector<512x1024xf32>, vector<1024x512xf32>, vector<512x512xf32> -> vector<512x512xf32>
    %get3A_28 = arith.constant 0 : index
    %get3A_29 = arith.constant 0 : index
    %get3A_30 = vector.load %arg6[%get3A_28, %get3A_29] : memref<512x1xi32, #tpu.memory_space<vmem>>, vector<512x1xi32>
    %convert_element_type3A = arith.sitofp %get3A_30 : vector<512x1xi32> to vector<512x1xf32>
    %iota3A = tpu.iota {dimensions = array<i32: 1>} : vector<1x32xi32>
    %convert_element_type3A_31 = arith.sitofp %iota3A : vector<1x32xi32> to vector<1x32xf32>
    %mul3A_32 = arith.constant 2.000000e+00 : f32
    %mul3A_33 = vector.broadcast %mul3A_32 : f32 to vector<1x32xf32>
    %mul3A_34 = arith.mulf %convert_element_type3A_31, %mul3A_33 : vector<1x32xf32>
    %mul3A_35 = arith.constant -0.179889455 : f32
    %mul3A_36 = vector.broadcast %mul3A_35 : f32 to vector<1x32xf32>
    %mul3A_37 = arith.mulf %mul3A_34, %mul3A_36 : vector<1x32xf32>
    %exp3A = math.exp %mul3A_37 : vector<1x32xf32>
    %mul3A_38 = vector.broadcast %convert_element_type3A : vector<512x1xf32> to vector<512x32xf32>
    %mul3A_39 = vector.broadcast %exp3A : vector<1x32xf32> to vector<512x32xf32>
    %mul3A_40 = arith.mulf %mul3A_38, %mul3A_39 : vector<512x32xf32>
    %cos3A = math.cos %mul3A_40 : vector<512x32xf32>
    %sin3A = math.sin %mul3A_40 : vector<512x32xf32>
    %slice3A = vector.extract_strided_slice %dot_general3A_17 {offsets = [0, 0], sizes = [512, 64], strides = [1, 1]} : vector<512x1024xf32> to vector<512x64xf32>
    %slice3A_41 = vector.extract_strided_slice %slice3A {offsets = [0, 0], sizes = [512, 32], strides = [1, 1]} : vector<512x64xf32> to vector<512x32xf32>
    %slice3A_42 = vector.extract_strided_slice %slice3A {offsets = [0, 32], sizes = [512, 32], strides = [1, 1]} : vector<512x64xf32> to vector<512x32xf32>
    %mul3A_43 = arith.mulf %slice3A_41, %cos3A : vector<512x32xf32>
    %mul3A_44 = arith.mulf %slice3A_42, %sin3A : vector<512x32xf32>
    %sub3A = arith.subf %mul3A_43, %mul3A_44 : vector<512x32xf32>
    %mul3A_45 = arith.mulf %slice3A_42, %cos3A : vector<512x32xf32>
    %mul3A_46 = arith.mulf %slice3A_41, %sin3A : vector<512x32xf32>
    %add3A_47 = arith.addf %mul3A_45, %mul3A_46 : vector<512x32xf32>
    %concatenate3A = tpu.concatenate %sub3A, %add3A_47 in 1 : vector<512x32xf32>, vector<512x32xf32> -> vector<512x64xf32>
    %swap3A = arith.constant 0 : index
    %swap3A_48 = arith.constant 0 : index
    %swap3A_49 = arith.constant 0 : index
    %swap3A_50 = vector.load %arg7[%swap3A, %swap3A_48, %swap3A_49] : memref<16x512x64xf32, #tpu.memory_space<vmem>>, vector<1x512x64xf32>
    %swap3A_51 = vector.shape_cast %swap3A_50 : vector<1x512x64xf32> to vector<512x64xf32>
    %swap3A_52 = vector.shape_cast %concatenate3A : vector<512x64xf32> to vector<1x512x64xf32>
    tpu.vector_store %arg7[%swap3A, %swap3A_48, %swap3A_49], %swap3A_52 {strides = array<i32>} : memref<16x512x64xf32, #tpu.memory_space<vmem>>, vector<1x512x64xf32>,
    %slice3A_53 = vector.extract_strided_slice %dot_general3A_17 {offsets = [0, 64], sizes = [512, 64], strides = [1, 1]} : vector<512x1024xf32> to vector<512x64xf32>
    %slice3A_54 = vector.extract_strided_slice %slice3A_53 {offsets = [0, 0], sizes = [512, 32], strides = [1, 1]} : vector<512x64xf32> to vector<512x32xf32>
    %slice3A_55 = vector.extract_strided_slice %slice3A_53 {offsets = [0, 32], sizes = [512, 32], strides = [1, 1]} : vector<512x64xf32> to vector<512x32xf32>
    %mul3A_56 = arith.mulf %slice3A_54, %cos3A : vector<512x32xf32>
    %mul3A_57 = arith.mulf %slice3A_55, %sin3A : vector<512x32xf32>
    %sub3A_58 = arith.subf %mul3A_56, %mul3A_57 : vector<512x32xf32>
    %mul3A_59 = arith.mulf %slice3A_55, %cos3A : vector<512x32xf32>
    %mul3A_60 = arith.mulf %slice3A_54, %sin3A : vector<512x32xf32>
    %add3A_61 = arith.addf %mul3A_59, %mul3A_60 : vector<512x32xf32>
    %concatenate3A_62 = tpu.concatenate %sub3A_58, %add3A_61 in 1 : vector<512x32xf32>, vector<512x32xf32> -> vector<512x64xf32>
    %swap3A_63 = arith.constant 1 : index
    %swap3A_64 = arith.constant 0 : index
    %swap3A_65 = arith.constant 0 : index
    %swap3A_66 = vector.load %arg7[%swap3A_63, %swap3A_64, %swap3A_65] : memref<16x512x64xf32, #tpu.memory_space<vmem>>, vector<1x512x64xf32>
    %swap3A_67 = vector.shape_cast %swap3A_66 : vector<1x512x64xf32> to vector<512x64xf32>
    %swap3A_68 = vector.shape_cast %concatenate3A_62 : vector<512x64xf32> to vector<1x512x64xf32>
    tpu.vector_store %arg7[%swap3A_63, %swap3A_64, %swap3A_65], %swap3A_68 {strides = array<i32>} : memref<16x512x64xf32, #tpu.memory_space<vmem>>, vector<1x512x64xf32>,
    %slice3A_69 = vector.extract_strided_slice %dot_general3A_17 {offsets = [0, 128], sizes = [512, 64], strides = [1, 1]} : vector<512x1024xf32> to vector<512x64xf32>
    %slice3A_70 = vector.extract_strided_slice %slice3A_69 {offsets = [0, 0], sizes = [512, 32], strides = [1, 1]} : vector<512x64xf32> to vector<512x32xf32>
    %slice3A_71 = vector.extract_strided_slice %slice3A_69 {offsets = [0, 32], sizes = [512, 32], strides = [1, 1]} : vector<512x64xf32> to vector<512x32xf32>
    %mul3A_72 = arith.mulf %slice3A_70, %cos3A : vector<512x32xf32>
    %mul3A_73 = arith.mulf %slice3A_71, %sin3A : vector<512x32xf32>
    %sub3A_74 = arith.subf %mul3A_72, %mul3A_73 : vector<512x32xf32>
    %mul3A_75 = arith.mulf %slice3A_71, %cos3A : vector<512x32xf32>
    %mul3A_76 = arith.mulf %slice3A_70, %sin3A : vector<512x32xf32>
    %add3A_77 = arith.addf %mul3A_75, %mul3A_76 : vector<512x32xf32>
    %concatenate3A_78 = tpu.concatenate %sub3A_74, %add3A_77 in 1 : vector<512x32xf32>, vector<512x32xf32> -> vector<512x64xf32>
    %swap3A_79 = arith.constant 2 : index
    %swap3A_80 = arith.constant 0 : index
    %swap3A_81 = arith.constant 0 : index
    %swap3A_82 = vector.load %arg7[%swap3A_79, %swap3A_80, %swap3A_81] : memref<16x512x64xf32, #tpu.memory_space<vmem>>, vector<1x512x64xf32>
    %swap3A_83 = vector.shape_cast %swap3A_82 : vector<1x512x64xf32> to vector<512x64xf32>
    %swap3A_84 = vector.shape_cast %concatenate3A_78 : vector<512x64xf32> to vector<1x512x64xf32>
    tpu.vector_store %arg7[%swap3A_79, %swap3A_80, %swap3A_81], %swap3A_84 {strides = array<i32>} : memref<16x512x64xf32, #tpu.memory_space<vmem>>, vector<1x512x64xf32>,
    %slice3A_85 = vector.extract_strided_slice %dot_general3A_17 {offsets = [0, 192], sizes = [512, 64], strides = [1, 1]} : vector<512x1024xf32> to vector<512x64xf32>
    %slice3A_86 = vector.extract_strided_slice %slice3A_85 {offsets = [0, 0], sizes = [512, 32], strides = [1, 1]} : vector<512x64xf32> to vector<512x32xf32>
    %slice3A_87 = vector.extract_strided_slice %slice3A_85 {offsets = [0, 32], sizes = [512, 32], strides = [1, 1]} : vector<512x64xf32> to vector<512x32xf32>
    %mul3A_88 = arith.mulf %slice3A_86, %cos3A : vector<512x32xf32>
    %mul3A_89 = arith.mulf %slice3A_87, %sin3A : vector<512x32xf32>
    %sub3A_90 = arith.subf %mul3A_88, %mul3A_89 : vector<512x32xf32>
    %mul3A_91 = arith.mulf %slice3A_87, %cos3A : vector<512x32xf32>
    %mul3A_92 = arith.mulf %slice3A_86, %sin3A : vector<512x32xf32>
    %add3A_93 = arith.addf %mul3A_91, %mul3A_92 : vector<512x32xf32>
    %concatenate3A_94 = tpu.concatenate %sub3A_90, %add3A_93 in 1 : vector<512x32xf32>, vector<512x32xf32> -> vector<512x64xf32>
    %swap3A_95 = arith.constant 3 : index
    %swap3A_96 = arith.constant 0 : index
    %swap3A_97 = arith.constant 0 : index
    %swap3A_98 = vector.load %arg7[%swap3A_95, %swap3A_96, %swap3A_97] : memref<16x512x64xf32, #tpu.memory_space<vmem>>, vector<1x512x64xf32>
    %swap3A_99 = vector.shape_cast %swap3A_98 : vector<1x512x64xf32> to vector<512x64xf32>
    %swap3A_100 = vector.shape_cast %concatenate3A_94 : vector<512x64xf32> to vector<1x512x64xf32>
    tpu.vector_store %arg7[%swap3A_95, %swap3A_96, %swap3A_97], %swap3A_100 {strides = array<i32>} : memref<16x512x64xf32, #tpu.memory_space<vmem>>, vector<1x512x64xf32>,
    %slice3A_101 = vector.extract_strided_slice %dot_general3A_17 {offsets = [0, 256], sizes = [512, 64], strides = [1, 1]} : vector<512x1024xf32> to vector<512x64xf32>
    %slice3A_102 = vector.extract_strided_slice %slice3A_101 {offsets = [0, 0], sizes = [512, 32], strides = [1, 1]} : vector<512x64xf32> to vector<512x32xf32>
    %slice3A_103 = vector.extract_strided_slice %slice3A_101 {offsets = [0, 32], sizes = [512, 32], strides = [1, 1]} : vector<512x64xf32> to vector<512x32xf32>
    %mul3A_104 = arith.mulf %slice3A_102, %cos3A : vector<512x32xf32>
    %mul3A_105 = arith.mulf %slice3A_103, %sin3A : vector<512x32xf32>
    %sub3A_106 = arith.subf %mul3A_104, %mul3A_105 : vector<512x32xf32>
    %mul3A_107 = arith.mulf %slice3A_103, %cos3A : vector<512x32xf32>
    %mul3A_108 = arith.mulf %slice3A_102, %sin3A : vector<512x32xf32>
    %add3A_109 = arith.addf %mul3A_107, %mul3A_108 : vector<512x32xf32>
    %concatenate3A_110 = tpu.concatenate %sub3A_106, %add3A_109 in 1 : vector<512x32xf32>, vector<512x32xf32> -> vector<512x64xf32>
    %swap3A_111 = arith.constant 4 : index
    %swap3A_112 = arith.constant 0 : index
    %swap3A_113 = arith.constant 0 : index
    %swap3A_114 = vector.load %arg7[%swap3A_111, %swap3A_112, %swap3A_113] : memref<16x512x64xf32, #tpu.memory_space<vmem>>, vector<1x512x64xf32>
    %swap3A_115 = vector.shape_cast %swap3A_114 : vector<1x512x64xf32> to vector<512x64xf32>
    %swap3A_116 = vector.shape_cast %concatenate3A_110 : vector<512x64xf32> to vector<1x512x64xf32>
    tpu.vector_store %arg7[%swap3A_111, %swap3A_112, %swap3A_113], %swap3A_116 {strides = array<i32>} : memref<16x512x64xf32, #tpu.memory_space<vmem>>, vector<1x512x64xf32>,
    %slice3A_117 = vector.extract_strided_slice %dot_general3A_17 {offsets = [0, 320], sizes = [512, 64], strides = [1, 1]} : vector<512x1024xf32> to vector<512x64xf32>
    %slice3A_118 = vector.extract_strided_slice %slice3A_117 {offsets = [0, 0], sizes = [512, 32], strides = [1, 1]} : vector<512x64xf32> to vector<512x32xf32>
    %slice3A_119 = vector.extract_strided_slice %slice3A_117 {offsets = [0, 32], sizes = [512, 32], strides = [1, 1]} : vector<512x64xf32> to vector<512x32xf32>
    %mul3A_120 = arith.mulf %slice3A_118, %cos3A : vector<512x32xf32>
    %mul3A_121 = arith.mulf %slice3A_119, %sin3A : vector<512x32xf32>
    %sub3A_122 = arith.subf %mul3A_120, %mul3A_121 : vector<512x32xf32>
    %mul3A_123 = arith.mulf %slice3A_119, %cos3A : vector<512x32xf32>
    %mul3A_124 = arith.mulf %slice3A_118, %sin3A : vector<512x32xf32>
    %add3A_125 = arith.addf %mul3A_123, %mul3A_124 : vector<512x32xf32>
    %concatenate3A_126 = tpu.concatenate %sub3A_122, %add3A_125 in 1 : vector<512x32xf32>, vector<512x32xf32> -> vector<512x64xf32>
    %swap3A_127 = arith.constant 5 : index
    %swap3A_128 = arith.constant 0 : index
    %swap3A_129 = arith.constant 0 : index
    %swap3A_130 = vector.load %arg7[%swap3A_127, %swap3A_128, %swap3A_129] : memref<16x512x64xf32, #tpu.memory_space<vmem>>, vector<1x512x64xf32>
    %swap3A_131 = vector.shape_cast %swap3A_130 : vector<1x512x64xf32> to vector<512x64xf32>
    %swap3A_132 = vector.shape_cast %concatenate3A_126 : vector<512x64xf32> to vector<1x512x64xf32>
    tpu.vector_store %arg7[%swap3A_127, %swap3A_128, %swap3A_129], %swap3A_132 {strides = array<i32>} : memref<16x512x64xf32, #tpu.memory_space<vmem>>, vector<1x512x64xf32>,
    %slice3A_133 = vector.extract_strided_slice %dot_general3A_17 {offsets = [0, 384], sizes = [512, 64], strides = [1, 1]} : vector<512x1024xf32> to vector<512x64xf32>
    %slice3A_134 = vector.extract_strided_slice %slice3A_133 {offsets = [0, 0], sizes = [512, 32], strides = [1, 1]} : vector<512x64xf32> to vector<512x32xf32>
    %slice3A_135 = vector.extract_strided_slice %slice3A_133 {offsets = [0, 32], sizes = [512, 32], strides = [1, 1]} : vector<512x64xf32> to vector<512x32xf32>
    %mul3A_136 = arith.mulf %slice3A_134, %cos3A : vector<512x32xf32>
    %mul3A_137 = arith.mulf %slice3A_135, %sin3A : vector<512x32xf32>
    %sub3A_138 = arith.subf %mul3A_136, %mul3A_137 : vector<512x32xf32>
    %mul3A_139 = arith.mulf %slice3A_135, %cos3A : vector<512x32xf32>
    %mul3A_140 = arith.mulf %slice3A_134, %sin3A : vector<512x32xf32>
    %add3A_141 = arith.addf %mul3A_139, %mul3A_140 : vector<512x32xf32>
    %concatenate3A_142 = tpu.concatenate %sub3A_138, %add3A_141 in 1 : vector<512x32xf32>, vector<512x32xf32> -> vector<512x64xf32>
    %swap3A_143 = arith.constant 6 : index
    %swap3A_144 = arith.constant 0 : index
    %swap3A_145 = arith.constant 0 : index
    %swap3A_146 = vector.load %arg7[%swap3A_143, %swap3A_144, %swap3A_145] : memref<16x512x64xf32, #tpu.memory_space<vmem>>, vector<1x512x64xf32>
    %swap3A_147 = vector.shape_cast %swap3A_146 : vector<1x512x64xf32> to vector<512x64xf32>
    %swap3A_148 = vector.shape_cast %concatenate3A_142 : vector<512x64xf32> to vector<1x512x64xf32>
    tpu.vector_store %arg7[%swap3A_143, %swap3A_144, %swap3A_145], %swap3A_148 {strides = array<i32>} : memref<16x512x64xf32, #tpu.memory_space<vmem>>, vector<1x512x64xf32>,
    %slice3A_149 = vector.extract_strided_slice %dot_general3A_17 {offsets = [0, 448], sizes = [512, 64], strides = [1, 1]} : vector<512x1024xf32> to vector<512x64xf32>
    %slice3A_150 = vector.extract_strided_slice %slice3A_149 {offsets = [0, 0], sizes = [512, 32], strides = [1, 1]} : vector<512x64xf32> to vector<512x32xf32>
    %slice3A_151 = vector.extract_strided_slice %slice3A_149 {offsets = [0, 32], sizes = [512, 32], strides = [1, 1]} : vector<512x64xf32> to vector<512x32xf32>
    %mul3A_152 = arith.mulf %slice3A_150, %cos3A : vector<512x32xf32>
    %mul3A_153 = arith.mulf %slice3A_151, %sin3A : vector<512x32xf32>
    %sub3A_154 = arith.subf %mul3A_152, %mul3A_153 : vector<512x32xf32>
    %mul3A_155 = arith.mulf %slice3A_151, %cos3A : vector<512x32xf32>
    %mul3A_156 = arith.mulf %slice3A_150, %sin3A : vector<512x32xf32>
    %add3A_157 = arith.addf %mul3A_155, %mul3A_156 : vector<512x32xf32>
    %concatenate3A_158 = tpu.concatenate %sub3A_154, %add3A_157 in 1 : vector<512x32xf32>, vector<512x32xf32> -> vector<512x64xf32>
    %swap3A_159 = arith.constant 7 : index
    %swap3A_160 = arith.constant 0 : index
    %swap3A_161 = arith.constant 0 : index
    %swap3A_162 = vector.load %arg7[%swap3A_159, %swap3A_160, %swap3A_161] : memref<16x512x64xf32, #tpu.memory_space<vmem>>, vector<1x512x64xf32>
    %swap3A_163 = vector.shape_cast %swap3A_162 : vector<1x512x64xf32> to vector<512x64xf32>
    %swap3A_164 = vector.shape_cast %concatenate3A_158 : vector<512x64xf32> to vector<1x512x64xf32>
    tpu.vector_store %arg7[%swap3A_159, %swap3A_160, %swap3A_161], %swap3A_164 {strides = array<i32>} : memref<16x512x64xf32, #tpu.memory_space<vmem>>, vector<1x512x64xf32>,
    %slice3A_165 = vector.extract_strided_slice %dot_general3A_17 {offsets = [0, 512], sizes = [512, 64], strides = [1, 1]} : vector<512x1024xf32> to vector<512x64xf32>
    %slice3A_166 = vector.extract_strided_slice %slice3A_165 {offsets = [0, 0], sizes = [512, 32], strides = [1, 1]} : vector<512x64xf32> to vector<512x32xf32>
    %slice3A_167 = vector.extract_strided_slice %slice3A_165 {offsets = [0, 32], sizes = [512, 32], strides = [1, 1]} : vector<512x64xf32> to vector<512x32xf32>
    %mul3A_168 = arith.mulf %slice3A_166, %cos3A : vector<512x32xf32>
    %mul3A_169 = arith.mulf %slice3A_167, %sin3A : vector<512x32xf32>
    %sub3A_170 = arith.subf %mul3A_168, %mul3A_169 : vector<512x32xf32>
    %mul3A_171 = arith.mulf %slice3A_167, %cos3A : vector<512x32xf32>
    %mul3A_172 = arith.mulf %slice3A_166, %sin3A : vector<512x32xf32>
    %add3A_173 = arith.addf %mul3A_171, %mul3A_172 : vector<512x32xf32>
    %concatenate3A_174 = tpu.concatenate %sub3A_170, %add3A_173 in 1 : vector<512x32xf32>, vector<512x32xf32> -> vector<512x64xf32>
    %swap3A_175 = arith.constant 8 : index
    %swap3A_176 = arith.constant 0 : index
    %swap3A_177 = arith.constant 0 : index
    %swap3A_178 = vector.load %arg7[%swap3A_175, %swap3A_176, %swap3A_177] : memref<16x512x64xf32, #tpu.memory_space<vmem>>, vector<1x512x64xf32>
    %swap3A_179 = vector.shape_cast %swap3A_178 : vector<1x512x64xf32> to vector<512x64xf32>
    %swap3A_180 = vector.shape_cast %concatenate3A_174 : vector<512x64xf32> to vector<1x512x64xf32>
    tpu.vector_store %arg7[%swap3A_175, %swap3A_176, %swap3A_177], %swap3A_180 {strides = array<i32>} : memref<16x512x64xf32, #tpu.memory_space<vmem>>, vector<1x512x64xf32>,
    %slice3A_181 = vector.extract_strided_slice %dot_general3A_17 {offsets = [0, 576], sizes = [512, 64], strides = [1, 1]} : vector<512x1024xf32> to vector<512x64xf32>
    %slice3A_182 = vector.extract_strided_slice %slice3A_181 {offsets = [0, 0], sizes = [512, 32], strides = [1, 1]} : vector<512x64xf32> to vector<512x32xf32>
    %slice3A_183 = vector.extract_strided_slice %slice3A_181 {offsets = [0, 32], sizes = [512, 32], strides = [1, 1]} : vector<512x64xf32> to vector<512x32xf32>
    %mul3A_184 = arith.mulf %slice3A_182, %cos3A : vector<512x32xf32>
    %mul3A_185 = arith.mulf %slice3A_183, %sin3A : vector<512x32xf32>
    %sub3A_186 = arith.subf %mul3A_184, %mul3A_185 : vector<512x32xf32>
    %mul3A_187 = arith.mulf %slice3A_183, %cos3A : vector<512x32xf32>
    %mul3A_188 = arith.mulf %slice3A_182, %sin3A : vector<512x32xf32>
    %add3A_189 = arith.addf %mul3A_187, %mul3A_188 : vector<512x32xf32>
    %concatenate3A_190 = tpu.concatenate %sub3A_186, %add3A_189 in 1 : vector<512x32xf32>, vector<512x32xf32> -> vector<512x64xf32>
    %swap3A_191 = arith.constant 9 : index
    %swap3A_192 = arith.constant 0 : index
    %swap3A_193 = arith.constant 0 : index
    %swap3A_194 = vector.load %arg7[%swap3A_191, %swap3A_192, %swap3A_193] : memref<16x512x64xf32, #tpu.memory_space<vmem>>, vector<1x512x64xf32>
    %swap3A_195 = vector.shape_cast %swap3A_194 : vector<1x512x64xf32> to vector<512x64xf32>
    %swap3A_196 = vector.shape_cast %concatenate3A_190 : vector<512x64xf32> to vector<1x512x64xf32>
    tpu.vector_store %arg7[%swap3A_191, %swap3A_192, %swap3A_193], %swap3A_196 {strides = array<i32>} : memref<16x512x64xf32, #tpu.memory_space<vmem>>, vector<1x512x64xf32>,
    %slice3A_197 = vector.extract_strided_slice %dot_general3A_17 {offsets = [0, 640], sizes = [512, 64], strides = [1, 1]} : vector<512x1024xf32> to vector<512x64xf32>
    %slice3A_198 = vector.extract_strided_slice %slice3A_197 {offsets = [0, 0], sizes = [512, 32], strides = [1, 1]} : vector<512x64xf32> to vector<512x32xf32>
    %slice3A_199 = vector.extract_strided_slice %slice3A_197 {offsets = [0, 32], sizes = [512, 32], strides = [1, 1]} : vector<512x64xf32> to vector<512x32xf32>
    %mul3A_200 = arith.mulf %slice3A_198, %cos3A : vector<512x32xf32>
    %mul3A_201 = arith.mulf %slice3A_199, %sin3A : vector<512x32xf32>
    %sub3A_202 = arith.subf %mul3A_200, %mul3A_201 : vector<512x32xf32>
    %mul3A_203 = arith.mulf %slice3A_199, %cos3A : vector<512x32xf32>
    %mul3A_204 = arith.mulf %slice3A_198, %sin3A : vector<512x32xf32>
    %add3A_205 = arith.addf %mul3A_203, %mul3A_204 : vector<512x32xf32>
    %concatenate3A_206 = tpu.concatenate %sub3A_202, %add3A_205 in 1 : vector<512x32xf32>, vector<512x32xf32> -> vector<512x64xf32>
    %swap3A_207 = arith.constant 10 : index
    %swap3A_208 = arith.constant 0 : index
    %swap3A_209 = arith.constant 0 : index
    %swap3A_210 = vector.load %arg7[%swap3A_207, %swap3A_208, %swap3A_209] : memref<16x512x64xf32, #tpu.memory_space<vmem>>, vector<1x512x64xf32>
    %swap3A_211 = vector.shape_cast %swap3A_210 : vector<1x512x64xf32> to vector<512x64xf32>
    %swap3A_212 = vector.shape_cast %concatenate3A_206 : vector<512x64xf32> to vector<1x512x64xf32>
    tpu.vector_store %arg7[%swap3A_207, %swap3A_208, %swap3A_209], %swap3A_212 {strides = array<i32>} : memref<16x512x64xf32, #tpu.memory_space<vmem>>, vector<1x512x64xf32>,
    %slice3A_213 = vector.extract_strided_slice %dot_general3A_17 {offsets = [0, 704], sizes = [512, 64], strides = [1, 1]} : vector<512x1024xf32> to vector<512x64xf32>
    %slice3A_214 = vector.extract_strided_slice %slice3A_213 {offsets = [0, 0], sizes = [512, 32], strides = [1, 1]} : vector<512x64xf32> to vector<512x32xf32>
    %slice3A_215 = vector.extract_strided_slice %slice3A_213 {offsets = [0, 32], sizes = [512, 32], strides = [1, 1]} : vector<512x64xf32> to vector<512x32xf32>
    %mul3A_216 = arith.mulf %slice3A_214, %cos3A : vector<512x32xf32>
    %mul3A_217 = arith.mulf %slice3A_215, %sin3A : vector<512x32xf32>
    %sub3A_218 = arith.subf %mul3A_216, %mul3A_217 : vector<512x32xf32>
    %mul3A_219 = arith.mulf %slice3A_215, %cos3A : vector<512x32xf32>
    %mul3A_220 = arith.mulf %slice3A_214, %sin3A : vector<512x32xf32>
    %add3A_221 = arith.addf %mul3A_219, %mul3A_220 : vector<512x32xf32>
    %concatenate3A_222 = tpu.concatenate %sub3A_218, %add3A_221 in 1 : vector<512x32xf32>, vector<512x32xf32> -> vector<512x64xf32>
    %swap3A_223 = arith.constant 11 : index
    %swap3A_224 = arith.constant 0 : index
    %swap3A_225 = arith.constant 0 : index
    %swap3A_226 = vector.load %arg7[%swap3A_223, %swap3A_224, %swap3A_225] : memref<16x512x64xf32, #tpu.memory_space<vmem>>, vector<1x512x64xf32>
    %swap3A_227 = vector.shape_cast %swap3A_226 : vector<1x512x64xf32> to vector<512x64xf32>
    %swap3A_228 = vector.shape_cast %concatenate3A_222 : vector<512x64xf32> to vector<1x512x64xf32>
    tpu.vector_store %arg7[%swap3A_223, %swap3A_224, %swap3A_225], %swap3A_228 {strides = array<i32>} : memref<16x512x64xf32, #tpu.memory_space<vmem>>, vector<1x512x64xf32>,
    %slice3A_229 = vector.extract_strided_slice %dot_general3A_17 {offsets = [0, 768], sizes = [512, 64], strides = [1, 1]} : vector<512x1024xf32> to vector<512x64xf32>
    %slice3A_230 = vector.extract_strided_slice %slice3A_229 {offsets = [0, 0], sizes = [512, 32], strides = [1, 1]} : vector<512x64xf32> to vector<512x32xf32>
    %slice3A_231 = vector.extract_strided_slice %slice3A_229 {offsets = [0, 32], sizes = [512, 32], strides = [1, 1]} : vector<512x64xf32> to vector<512x32xf32>
    %mul3A_232 = arith.mulf %slice3A_230, %cos3A : vector<512x32xf32>
    %mul3A_233 = arith.mulf %slice3A_231, %sin3A : vector<512x32xf32>
    %sub3A_234 = arith.subf %mul3A_232, %mul3A_233 : vector<512x32xf32>
    %mul3A_235 = arith.mulf %slice3A_231, %cos3A : vector<512x32xf32>
    %mul3A_236 = arith.mulf %slice3A_230, %sin3A : vector<512x32xf32>
    %add3A_237 = arith.addf %mul3A_235, %mul3A_236 : vector<512x32xf32>
    %concatenate3A_238 = tpu.concatenate %sub3A_234, %add3A_237 in 1 : vector<512x32xf32>, vector<512x32xf32> -> vector<512x64xf32>
    %swap3A_239 = arith.constant 12 : index
    %swap3A_240 = arith.constant 0 : index
    %swap3A_241 = arith.constant 0 : index
    %swap3A_242 = vector.load %arg7[%swap3A_239, %swap3A_240, %swap3A_241] : memref<16x512x64xf32, #tpu.memory_space<vmem>>, vector<1x512x64xf32>
    %swap3A_243 = vector.shape_cast %swap3A_242 : vector<1x512x64xf32> to vector<512x64xf32>
    %swap3A_244 = vector.shape_cast %concatenate3A_238 : vector<512x64xf32> to vector<1x512x64xf32>
    tpu.vector_store %arg7[%swap3A_239, %swap3A_240, %swap3A_241], %swap3A_244 {strides = array<i32>} : memref<16x512x64xf32, #tpu.memory_space<vmem>>, vector<1x512x64xf32>,
    %slice3A_245 = vector.extract_strided_slice %dot_general3A_17 {offsets = [0, 832], sizes = [512, 64], strides = [1, 1]} : vector<512x1024xf32> to vector<512x64xf32>
    %slice3A_246 = vector.extract_strided_slice %slice3A_245 {offsets = [0, 0], sizes = [512, 32], strides = [1, 1]} : vector<512x64xf32> to vector<512x32xf32>
    %slice3A_247 = vector.extract_strided_slice %slice3A_245 {offsets = [0, 32], sizes = [512, 32], strides = [1, 1]} : vector<512x64xf32> to vector<512x32xf32>
    %mul3A_248 = arith.mulf %slice3A_246, %cos3A : vector<512x32xf32>
    %mul3A_249 = arith.mulf %slice3A_247, %sin3A : vector<512x32xf32>
    %sub3A_250 = arith.subf %mul3A_248, %mul3A_249 : vector<512x32xf32>
    %mul3A_251 = arith.mulf %slice3A_247, %cos3A : vector<512x32xf32>
    %mul3A_252 = arith.mulf %slice3A_246, %sin3A : vector<512x32xf32>
    %add3A_253 = arith.addf %mul3A_251, %mul3A_252 : vector<512x32xf32>
    %concatenate3A_254 = tpu.concatenate %sub3A_250, %add3A_253 in 1 : vector<512x32xf32>, vector<512x32xf32> -> vector<512x64xf32>
    %swap3A_255 = arith.constant 13 : index
    %swap3A_256 = arith.constant 0 : index
    %swap3A_257 = arith.constant 0 : index
    %swap3A_258 = vector.load %arg7[%swap3A_255, %swap3A_256, %swap3A_257] : memref<16x512x64xf32, #tpu.memory_space<vmem>>, vector<1x512x64xf32>
    %swap3A_259 = vector.shape_cast %swap3A_258 : vector<1x512x64xf32> to vector<512x64xf32>
    %swap3A_260 = vector.shape_cast %concatenate3A_254 : vector<512x64xf32> to vector<1x512x64xf32>
    tpu.vector_store %arg7[%swap3A_255, %swap3A_256, %swap3A_257], %swap3A_260 {strides = array<i32>} : memref<16x512x64xf32, #tpu.memory_space<vmem>>, vector<1x512x64xf32>,
    %slice3A_261 = vector.extract_strided_slice %dot_general3A_17 {offsets = [0, 896], sizes = [512, 64], strides = [1, 1]} : vector<512x1024xf32> to vector<512x64xf32>
    %slice3A_262 = vector.extract_strided_slice %slice3A_261 {offsets = [0, 0], sizes = [512, 32], strides = [1, 1]} : vector<512x64xf32> to vector<512x32xf32>
    %slice3A_263 = vector.extract_strided_slice %slice3A_261 {offsets = [0, 32], sizes = [512, 32], strides = [1, 1]} : vector<512x64xf32> to vector<512x32xf32>
    %mul3A_264 = arith.mulf %slice3A_262, %cos3A : vector<512x32xf32>
    %mul3A_265 = arith.mulf %slice3A_263, %sin3A : vector<512x32xf32>
    %sub3A_266 = arith.subf %mul3A_264, %mul3A_265 : vector<512x32xf32>
    %mul3A_267 = arith.mulf %slice3A_263, %cos3A : vector<512x32xf32>
    %mul3A_268 = arith.mulf %slice3A_262, %sin3A : vector<512x32xf32>
    %add3A_269 = arith.addf %mul3A_267, %mul3A_268 : vector<512x32xf32>
    %concatenate3A_270 = tpu.concatenate %sub3A_266, %add3A_269 in 1 : vector<512x32xf32>, vector<512x32xf32> -> vector<512x64xf32>
    %swap3A_271 = arith.constant 14 : index
    %swap3A_272 = arith.constant 0 : index
    %swap3A_273 = arith.constant 0 : index
    %swap3A_274 = vector.load %arg7[%swap3A_271, %swap3A_272, %swap3A_273] : memref<16x512x64xf32, #tpu.memory_space<vmem>>, vector<1x512x64xf32>
    %swap3A_275 = vector.shape_cast %swap3A_274 : vector<1x512x64xf32> to vector<512x64xf32>
    %swap3A_276 = vector.shape_cast %concatenate3A_270 : vector<512x64xf32> to vector<1x512x64xf32>
    tpu.vector_store %arg7[%swap3A_271, %swap3A_272, %swap3A_273], %swap3A_276 {strides = array<i32>} : memref<16x512x64xf32, #tpu.memory_space<vmem>>, vector<1x512x64xf32>,
    %slice3A_277 = vector.extract_strided_slice %dot_general3A_17 {offsets = [0, 960], sizes = [512, 64], strides = [1, 1]} : vector<512x1024xf32> to vector<512x64xf32>
    %slice3A_278 = vector.extract_strided_slice %slice3A_277 {offsets = [0, 0], sizes = [512, 32], strides = [1, 1]} : vector<512x64xf32> to vector<512x32xf32>
    %slice3A_279 = vector.extract_strided_slice %slice3A_277 {offsets = [0, 32], sizes = [512, 32], strides = [1, 1]} : vector<512x64xf32> to vector<512x32xf32>
    %mul3A_280 = arith.mulf %slice3A_278, %cos3A : vector<512x32xf32>
    %mul3A_281 = arith.mulf %slice3A_279, %sin3A : vector<512x32xf32>
    %sub3A_282 = arith.subf %mul3A_280, %mul3A_281 : vector<512x32xf32>
    %mul3A_283 = arith.mulf %slice3A_279, %cos3A : vector<512x32xf32>
    %mul3A_284 = arith.mulf %slice3A_278, %sin3A : vector<512x32xf32>
    %add3A_285 = arith.addf %mul3A_283, %mul3A_284 : vector<512x32xf32>
    %concatenate3A_286 = tpu.concatenate %sub3A_282, %add3A_285 in 1 : vector<512x32xf32>, vector<512x32xf32> -> vector<512x64xf32>
    %swap3A_287 = arith.constant 15 : index
    %swap3A_288 = arith.constant 0 : index
    %swap3A_289 = arith.constant 0 : index
    %swap3A_290 = vector.load %arg7[%swap3A_287, %swap3A_288, %swap3A_289] : memref<16x512x64xf32, #tpu.memory_space<vmem>>, vector<1x512x64xf32>
    %swap3A_291 = vector.shape_cast %swap3A_290 : vector<1x512x64xf32> to vector<512x64xf32>
    %swap3A_292 = vector.shape_cast %concatenate3A_286 : vector<512x64xf32> to vector<1x512x64xf32>
    tpu.vector_store %arg7[%swap3A_287, %swap3A_288, %swap3A_289], %swap3A_292 {strides = array<i32>} : memref<16x512x64xf32, #tpu.memory_space<vmem>>, vector<1x512x64xf32>,
    %slice3A_293 = vector.extract_strided_slice %dot_general3A_22 {offsets = [0, 0], sizes = [512, 64], strides = [1, 1]} : vector<512x512xf32> to vector<512x64xf32>
    %slice3A_294 = vector.extract_strided_slice %slice3A_293 {offsets = [0, 0], sizes = [512, 32], strides = [1, 1]} : vector<512x64xf32> to vector<512x32xf32>
    %slice3A_295 = vector.extract_strided_slice %slice3A_293 {offsets = [0, 32], sizes = [512, 32], strides = [1, 1]} : vector<512x64xf32> to vector<512x32xf32>
    %mul3A_296 = arith.mulf %slice3A_294, %cos3A : vector<512x32xf32>
    %mul3A_297 = arith.mulf %slice3A_295, %sin3A : vector<512x32xf32>
    %sub3A_298 = arith.subf %mul3A_296, %mul3A_297 : vector<512x32xf32>
    %mul3A_299 = arith.mulf %slice3A_295, %cos3A : vector<512x32xf32>
    %mul3A_300 = arith.mulf %slice3A_294, %sin3A : vector<512x32xf32>
    %add3A_301 = arith.addf %mul3A_299, %mul3A_300 : vector<512x32xf32>
    %concatenate3A_302 = tpu.concatenate %sub3A_298, %add3A_301 in 1 : vector<512x32xf32>, vector<512x32xf32> -> vector<512x64xf32>
    %swap3A_303 = arith.constant 0 : index
    %swap3A_304 = arith.constant 0 : index
    %swap3A_305 = arith.constant 0 : index
    %swap3A_306 = vector.load %arg8[%swap3A_303, %swap3A_304, %swap3A_305] : memref<8x512x64xf32, #tpu.memory_space<vmem>>, vector<1x512x64xf32>
    %swap3A_307 = vector.shape_cast %swap3A_306 : vector<1x512x64xf32> to vector<512x64xf32>
    %swap3A_308 = vector.shape_cast %concatenate3A_302 : vector<512x64xf32> to vector<1x512x64xf32>
    tpu.vector_store %arg8[%swap3A_303, %swap3A_304, %swap3A_305], %swap3A_308 {strides = array<i32>} : memref<8x512x64xf32, #tpu.memory_space<vmem>>, vector<1x512x64xf32>,
    %slice3A_309 = vector.extract_strided_slice %dot_general3A_27 {offsets = [0, 0], sizes = [512, 64], strides = [1, 1]} : vector<512x512xf32> to vector<512x64xf32>
    %swap3A_310 = arith.constant 0 : index
    %swap3A_311 = arith.constant 0 : index
    %swap3A_312 = arith.constant 0 : index
    %swap3A_313 = vector.load %arg9[%swap3A_310, %swap3A_311, %swap3A_312] : memref<8x512x64xf32, #tpu.memory_space<vmem>>, vector<1x512x64xf32>
    %swap3A_314 = vector.shape_cast %swap3A_313 : vector<1x512x64xf32> to vector<512x64xf32>
    %swap3A_315 = vector.shape_cast %slice3A_309 : vector<512x64xf32> to vector<1x512x64xf32>
    tpu.vector_store %arg9[%swap3A_310, %swap3A_311, %swap3A_312], %swap3A_315 {strides = array<i32>} : memref<8x512x64xf32, #tpu.memory_space<vmem>>, vector<1x512x64xf32>,
    %slice3A_316 = vector.extract_strided_slice %dot_general3A_22 {offsets = [0, 64], sizes = [512, 64], strides = [1, 1]} : vector<512x512xf32> to vector<512x64xf32>
    %slice3A_317 = vector.extract_strided_slice %slice3A_316 {offsets = [0, 0], sizes = [512, 32], strides = [1, 1]} : vector<512x64xf32> to vector<512x32xf32>
    %slice3A_318 = vector.extract_strided_slice %slice3A_316 {offsets = [0, 32], sizes = [512, 32], strides = [1, 1]} : vector<512x64xf32> to vector<512x32xf32>
    %mul3A_319 = arith.mulf %slice3A_317, %cos3A : vector<512x32xf32>
    %mul3A_320 = arith.mulf %slice3A_318, %sin3A : vector<512x32xf32>
    %sub3A_321 = arith.subf %mul3A_319, %mul3A_320 : vector<512x32xf32>
    %mul3A_322 = arith.mulf %slice3A_318, %cos3A : vector<512x32xf32>
    %mul3A_323 = arith.mulf %slice3A_317, %sin3A : vector<512x32xf32>
    %add3A_324 = arith.addf %mul3A_322, %mul3A_323 : vector<512x32xf32>
    %concatenate3A_325 = tpu.concatenate %sub3A_321, %add3A_324 in 1 : vector<512x32xf32>, vector<512x32xf32> -> vector<512x64xf32>
    %swap3A_326 = arith.constant 1 : index
    %swap3A_327 = arith.constant 0 : index
    %swap3A_328 = arith.constant 0 : index
    %swap3A_329 = vector.load %arg8[%swap3A_326, %swap3A_327, %swap3A_328] : memref<8x512x64xf32, #tpu.memory_space<vmem>>, vector<1x512x64xf32>
    %swap3A_330 = vector.shape_cast %swap3A_329 : vector<1x512x64xf32> to vector<512x64xf32>
    %swap3A_331 = vector.shape_cast %concatenate3A_325 : vector<512x64xf32> to vector<1x512x64xf32>
    tpu.vector_store %arg8[%swap3A_326, %swap3A_327, %swap3A_328], %swap3A_331 {strides = array<i32>} : memref<8x512x64xf32, #tpu.memory_space<vmem>>, vector<1x512x64xf32>,
    %slice3A_332 = vector.extract_strided_slice %dot_general3A_27 {offsets = [0, 64], sizes = [512, 64], strides = [1, 1]} : vector<512x512xf32> to vector<512x64xf32>
    %swap3A_333 = arith.constant 1 : index
    %swap3A_334 = arith.constant 0 : index
    %swap3A_335 = arith.constant 0 : index
    %swap3A_336 = vector.load %arg9[%swap3A_333, %swap3A_334, %swap3A_335] : memref<8x512x64xf32, #tpu.memory_space<vmem>>, vector<1x512x64xf32>
    %swap3A_337 = vector.shape_cast %swap3A_336 : vector<1x512x64xf32> to vector<512x64xf32>
    %swap3A_338 = vector.shape_cast %slice3A_332 : vector<512x64xf32> to vector<1x512x64xf32>
    tpu.vector_store %arg9[%swap3A_333, %swap3A_334, %swap3A_335], %swap3A_338 {strides = array<i32>} : memref<8x512x64xf32, #tpu.memory_space<vmem>>, vector<1x512x64xf32>,
    %slice3A_339 = vector.extract_strided_slice %dot_general3A_22 {offsets = [0, 128], sizes = [512, 64], strides = [1, 1]} : vector<512x512xf32> to vector<512x64xf32>
    %slice3A_340 = vector.extract_strided_slice %slice3A_339 {offsets = [0, 0], sizes = [512, 32], strides = [1, 1]} : vector<512x64xf32> to vector<512x32xf32>
    %slice3A_341 = vector.extract_strided_slice %slice3A_339 {offsets = [0, 32], sizes = [512, 32], strides = [1, 1]} : vector<512x64xf32> to vector<512x32xf32>
    %mul3A_342 = arith.mulf %slice3A_340, %cos3A : vector<512x32xf32>
    %mul3A_343 = arith.mulf %slice3A_341, %sin3A : vector<512x32xf32>
    %sub3A_344 = arith.subf %mul3A_342, %mul3A_343 : vector<512x32xf32>
    %mul3A_345 = arith.mulf %slice3A_341, %cos3A : vector<512x32xf32>
    %mul3A_346 = arith.mulf %slice3A_340, %sin3A : vector<512x32xf32>
    %add3A_347 = arith.addf %mul3A_345, %mul3A_346 : vector<512x32xf32>
    %concatenate3A_348 = tpu.concatenate %sub3A_344, %add3A_347 in 1 : vector<512x32xf32>, vector<512x32xf32> -> vector<512x64xf32>
    %swap3A_349 = arith.constant 2 : index
    %swap3A_350 = arith.constant 0 : index
    %swap3A_351 = arith.constant 0 : index
    %swap3A_352 = vector.load %arg8[%swap3A_349, %swap3A_350, %swap3A_351] : memref<8x512x64xf32, #tpu.memory_space<vmem>>, vector<1x512x64xf32>
    %swap3A_353 = vector.shape_cast %swap3A_352 : vector<1x512x64xf32> to vector<512x64xf32>
    %swap3A_354 = vector.shape_cast %concatenate3A_348 : vector<512x64xf32> to vector<1x512x64xf32>
    tpu.vector_store %arg8[%swap3A_349, %swap3A_350, %swap3A_351], %swap3A_354 {strides = array<i32>} : memref<8x512x64xf32, #tpu.memory_space<vmem>>, vector<1x512x64xf32>,
    %slice3A_355 = vector.extract_strided_slice %dot_general3A_27 {offsets = [0, 128], sizes = [512, 64], strides = [1, 1]} : vector<512x512xf32> to vector<512x64xf32>
    %swap3A_356 = arith.constant 2 : index
    %swap3A_357 = arith.constant 0 : index
    %swap3A_358 = arith.constant 0 : index
    %swap3A_359 = vector.load %arg9[%swap3A_356, %swap3A_357, %swap3A_358] : memref<8x512x64xf32, #tpu.memory_space<vmem>>, vector<1x512x64xf32>
    %swap3A_360 = vector.shape_cast %swap3A_359 : vector<1x512x64xf32> to vector<512x64xf32>
    %swap3A_361 = vector.shape_cast %slice3A_355 : vector<512x64xf32> to vector<1x512x64xf32>
    tpu.vector_store %arg9[%swap3A_356, %swap3A_357, %swap3A_358], %swap3A_361 {strides = array<i32>} : memref<8x512x64xf32, #tpu.memory_space<vmem>>, vector<1x512x64xf32>,
    %slice3A_362 = vector.extract_strided_slice %dot_general3A_22 {offsets = [0, 192], sizes = [512, 64], strides = [1, 1]} : vector<512x512xf32> to vector<512x64xf32>
    %slice3A_363 = vector.extract_strided_slice %slice3A_362 {offsets = [0, 0], sizes = [512, 32], strides = [1, 1]} : vector<512x64xf32> to vector<512x32xf32>
    %slice3A_364 = vector.extract_strided_slice %slice3A_362 {offsets = [0, 32], sizes = [512, 32], strides = [1, 1]} : vector<512x64xf32> to vector<512x32xf32>
    %mul3A_365 = arith.mulf %slice3A_363, %cos3A : vector<512x32xf32>
    %mul3A_366 = arith.mulf %slice3A_364, %sin3A : vector<512x32xf32>
    %sub3A_367 = arith.subf %mul3A_365, %mul3A_366 : vector<512x32xf32>
    %mul3A_368 = arith.mulf %slice3A_364, %cos3A : vector<512x32xf32>
    %mul3A_369 = arith.mulf %slice3A_363, %sin3A : vector<512x32xf32>
    %add3A_370 = arith.addf %mul3A_368, %mul3A_369 : vector<512x32xf32>
    %concatenate3A_371 = tpu.concatenate %sub3A_367, %add3A_370 in 1 : vector<512x32xf32>, vector<512x32xf32> -> vector<512x64xf32>
    %swap3A_372 = arith.constant 3 : index
    %swap3A_373 = arith.constant 0 : index
    %swap3A_374 = arith.constant 0 : index
    %swap3A_375 = vector.load %arg8[%swap3A_372, %swap3A_373, %swap3A_374] : memref<8x512x64xf32, #tpu.memory_space<vmem>>, vector<1x512x64xf32>
    %swap3A_376 = vector.shape_cast %swap3A_375 : vector<1x512x64xf32> to vector<512x64xf32>
    %swap3A_377 = vector.shape_cast %concatenate3A_371 : vector<512x64xf32> to vector<1x512x64xf32>
    tpu.vector_store %arg8[%swap3A_372, %swap3A_373, %swap3A_374], %swap3A_377 {strides = array<i32>} : memref<8x512x64xf32, #tpu.memory_space<vmem>>, vector<1x512x64xf32>,
    %slice3A_378 = vector.extract_strided_slice %dot_general3A_27 {offsets = [0, 192], sizes = [512, 64], strides = [1, 1]} : vector<512x512xf32> to vector<512x64xf32>
    %swap3A_379 = arith.constant 3 : index
    %swap3A_380 = arith.constant 0 : index
    %swap3A_381 = arith.constant 0 : index
    %swap3A_382 = vector.load %arg9[%swap3A_379, %swap3A_380, %swap3A_381] : memref<8x512x64xf32, #tpu.memory_space<vmem>>, vector<1x512x64xf32>
    %swap3A_383 = vector.shape_cast %swap3A_382 : vector<1x512x64xf32> to vector<512x64xf32>
    %swap3A_384 = vector.shape_cast %slice3A_378 : vector<512x64xf32> to vector<1x512x64xf32>
    tpu.vector_store %arg9[%swap3A_379, %swap3A_380, %swap3A_381], %swap3A_384 {strides = array<i32>} : memref<8x512x64xf32, #tpu.memory_space<vmem>>, vector<1x512x64xf32>,
    %slice3A_385 = vector.extract_strided_slice %dot_general3A_22 {offsets = [0, 256], sizes = [512, 64], strides = [1, 1]} : vector<512x512xf32> to vector<512x64xf32>
    %slice3A_386 = vector.extract_strided_slice %slice3A_385 {offsets = [0, 0], sizes = [512, 32], strides = [1, 1]} : vector<512x64xf32> to vector<512x32xf32>
    %slice3A_387 = vector.extract_strided_slice %slice3A_385 {offsets = [0, 32], sizes = [512, 32], strides = [1, 1]} : vector<512x64xf32> to vector<512x32xf32>
    %mul3A_388 = arith.mulf %slice3A_386, %cos3A : vector<512x32xf32>
    %mul3A_389 = arith.mulf %slice3A_387, %sin3A : vector<512x32xf32>
    %sub3A_390 = arith.subf %mul3A_388, %mul3A_389 : vector<512x32xf32>
    %mul3A_391 = arith.mulf %slice3A_387, %cos3A : vector<512x32xf32>
    %mul3A_392 = arith.mulf %slice3A_386, %sin3A : vector<512x32xf32>
    %add3A_393 = arith.addf %mul3A_391, %mul3A_392 : vector<512x32xf32>
    %concatenate3A_394 = tpu.concatenate %sub3A_390, %add3A_393 in 1 : vector<512x32xf32>, vector<512x32xf32> -> vector<512x64xf32>
    %swap3A_395 = arith.constant 4 : index
    %swap3A_396 = arith.constant 0 : index
    %swap3A_397 = arith.constant 0 : index
    %swap3A_398 = vector.load %arg8[%swap3A_395, %swap3A_396, %swap3A_397] : memref<8x512x64xf32, #tpu.memory_space<vmem>>, vector<1x512x64xf32>
    %swap3A_399 = vector.shape_cast %swap3A_398 : vector<1x512x64xf32> to vector<512x64xf32>
    %swap3A_400 = vector.shape_cast %concatenate3A_394 : vector<512x64xf32> to vector<1x512x64xf32>
    tpu.vector_store %arg8[%swap3A_395, %swap3A_396, %swap3A_397], %swap3A_400 {strides = array<i32>} : memref<8x512x64xf32, #tpu.memory_space<vmem>>, vector<1x512x64xf32>,
    %slice3A_401 = vector.extract_strided_slice %dot_general3A_27 {offsets = [0, 256], sizes = [512, 64], strides = [1, 1]} : vector<512x512xf32> to vector<512x64xf32>
    %swap3A_402 = arith.constant 4 : index
    %swap3A_403 = arith.constant 0 : index
    %swap3A_404 = arith.constant 0 : index
    %swap3A_405 = vector.load %arg9[%swap3A_402, %swap3A_403, %swap3A_404] : memref<8x512x64xf32, #tpu.memory_space<vmem>>, vector<1x512x64xf32>
    %swap3A_406 = vector.shape_cast %swap3A_405 : vector<1x512x64xf32> to vector<512x64xf32>
    %swap3A_407 = vector.shape_cast %slice3A_401 : vector<512x64xf32> to vector<1x512x64xf32>
    tpu.vector_store %arg9[%swap3A_402, %swap3A_403, %swap3A_404], %swap3A_407 {strides = array<i32>} : memref<8x512x64xf32, #tpu.memory_space<vmem>>, vector<1x512x64xf32>,
    %slice3A_408 = vector.extract_strided_slice %dot_general3A_22 {offsets = [0, 320], sizes = [512, 64], strides = [1, 1]} : vector<512x512xf32> to vector<512x64xf32>
    %slice3A_409 = vector.extract_strided_slice %slice3A_408 {offsets = [0, 0], sizes = [512, 32], strides = [1, 1]} : vector<512x64xf32> to vector<512x32xf32>
    %slice3A_410 = vector.extract_strided_slice %slice3A_408 {offsets = [0, 32], sizes = [512, 32], strides = [1, 1]} : vector<512x64xf32> to vector<512x32xf32>
    %mul3A_411 = arith.mulf %slice3A_409, %cos3A : vector<512x32xf32>
    %mul3A_412 = arith.mulf %slice3A_410, %sin3A : vector<512x32xf32>
    %sub3A_413 = arith.subf %mul3A_411, %mul3A_412 : vector<512x32xf32>
    %mul3A_414 = arith.mulf %slice3A_410, %cos3A : vector<512x32xf32>
    %mul3A_415 = arith.mulf %slice3A_409, %sin3A : vector<512x32xf32>
    %add3A_416 = arith.addf %mul3A_414, %mul3A_415 : vector<512x32xf32>
    %concatenate3A_417 = tpu.concatenate %sub3A_413, %add3A_416 in 1 : vector<512x32xf32>, vector<512x32xf32> -> vector<512x64xf32>
    %swap3A_418 = arith.constant 5 : index
    %swap3A_419 = arith.constant 0 : index
    %swap3A_420 = arith.constant 0 : index
    %swap3A_421 = vector.load %arg8[%swap3A_418, %swap3A_419, %swap3A_420] : memref<8x512x64xf32, #tpu.memory_space<vmem>>, vector<1x512x64xf32>
    %swap3A_422 = vector.shape_cast %swap3A_421 : vector<1x512x64xf32> to vector<512x64xf32>
    %swap3A_423 = vector.shape_cast %concatenate3A_417 : vector<512x64xf32> to vector<1x512x64xf32>
    tpu.vector_store %arg8[%swap3A_418, %swap3A_419, %swap3A_420], %swap3A_423 {strides = array<i32>} : memref<8x512x64xf32, #tpu.memory_space<vmem>>, vector<1x512x64xf32>,
    %slice3A_424 = vector.extract_strided_slice %dot_general3A_27 {offsets = [0, 320], sizes = [512, 64], strides = [1, 1]} : vector<512x512xf32> to vector<512x64xf32>
    %swap3A_425 = arith.constant 5 : index
    %swap3A_426 = arith.constant 0 : index
    %swap3A_427 = arith.constant 0 : index
    %swap3A_428 = vector.load %arg9[%swap3A_425, %swap3A_426, %swap3A_427] : memref<8x512x64xf32, #tpu.memory_space<vmem>>, vector<1x512x64xf32>
    %swap3A_429 = vector.shape_cast %swap3A_428 : vector<1x512x64xf32> to vector<512x64xf32>
    %swap3A_430 = vector.shape_cast %slice3A_424 : vector<512x64xf32> to vector<1x512x64xf32>
    tpu.vector_store %arg9[%swap3A_425, %swap3A_426, %swap3A_427], %swap3A_430 {strides = array<i32>} : memref<8x512x64xf32, #tpu.memory_space<vmem>>, vector<1x512x64xf32>,
    %slice3A_431 = vector.extract_strided_slice %dot_general3A_22 {offsets = [0, 384], sizes = [512, 64], strides = [1, 1]} : vector<512x512xf32> to vector<512x64xf32>
    %slice3A_432 = vector.extract_strided_slice %slice3A_431 {offsets = [0, 0], sizes = [512, 32], strides = [1, 1]} : vector<512x64xf32> to vector<512x32xf32>
    %slice3A_433 = vector.extract_strided_slice %slice3A_431 {offsets = [0, 32], sizes = [512, 32], strides = [1, 1]} : vector<512x64xf32> to vector<512x32xf32>
    %mul3A_434 = arith.mulf %slice3A_432, %cos3A : vector<512x32xf32>
    %mul3A_435 = arith.mulf %slice3A_433, %sin3A : vector<512x32xf32>
    %sub3A_436 = arith.subf %mul3A_434, %mul3A_435 : vector<512x32xf32>
    %mul3A_437 = arith.mulf %slice3A_433, %cos3A : vector<512x32xf32>
    %mul3A_438 = arith.mulf %slice3A_432, %sin3A : vector<512x32xf32>
    %add3A_439 = arith.addf %mul3A_437, %mul3A_438 : vector<512x32xf32>
    %concatenate3A_440 = tpu.concatenate %sub3A_436, %add3A_439 in 1 : vector<512x32xf32>, vector<512x32xf32> -> vector<512x64xf32>
    %swap3A_441 = arith.constant 6 : index
    %swap3A_442 = arith.constant 0 : index
    %swap3A_443 = arith.constant 0 : index
    %swap3A_444 = vector.load %arg8[%swap3A_441, %swap3A_442, %swap3A_443] : memref<8x512x64xf32, #tpu.memory_space<vmem>>, vector<1x512x64xf32>
    %swap3A_445 = vector.shape_cast %swap3A_444 : vector<1x512x64xf32> to vector<512x64xf32>
    %swap3A_446 = vector.shape_cast %concatenate3A_440 : vector<512x64xf32> to vector<1x512x64xf32>
    tpu.vector_store %arg8[%swap3A_441, %swap3A_442, %swap3A_443], %swap3A_446 {strides = array<i32>} : memref<8x512x64xf32, #tpu.memory_space<vmem>>, vector<1x512x64xf32>,
    %slice3A_447 = vector.extract_strided_slice %dot_general3A_27 {offsets = [0, 384], sizes = [512, 64], strides = [1, 1]} : vector<512x512xf32> to vector<512x64xf32>
    %swap3A_448 = arith.constant 6 : index
    %swap3A_449 = arith.constant 0 : index
    %swap3A_450 = arith.constant 0 : index
    %swap3A_451 = vector.load %arg9[%swap3A_448, %swap3A_449, %swap3A_450] : memref<8x512x64xf32, #tpu.memory_space<vmem>>, vector<1x512x64xf32>
    %swap3A_452 = vector.shape_cast %swap3A_451 : vector<1x512x64xf32> to vector<512x64xf32>
    %swap3A_453 = vector.shape_cast %slice3A_447 : vector<512x64xf32> to vector<1x512x64xf32>
    tpu.vector_store %arg9[%swap3A_448, %swap3A_449, %swap3A_450], %swap3A_453 {strides = array<i32>} : memref<8x512x64xf32, #tpu.memory_space<vmem>>, vector<1x512x64xf32>,
    %slice3A_454 = vector.extract_strided_slice %dot_general3A_22 {offsets = [0, 448], sizes = [512, 64], strides = [1, 1]} : vector<512x512xf32> to vector<512x64xf32>
    %slice3A_455 = vector.extract_strided_slice %slice3A_454 {offsets = [0, 0], sizes = [512, 32], strides = [1, 1]} : vector<512x64xf32> to vector<512x32xf32>
    %slice3A_456 = vector.extract_strided_slice %slice3A_454 {offsets = [0, 32], sizes = [512, 32], strides = [1, 1]} : vector<512x64xf32> to vector<512x32xf32>
    %mul3A_457 = arith.mulf %slice3A_455, %cos3A : vector<512x32xf32>
    %mul3A_458 = arith.mulf %slice3A_456, %sin3A : vector<512x32xf32>
    %sub3A_459 = arith.subf %mul3A_457, %mul3A_458 : vector<512x32xf32>
    %mul3A_460 = arith.mulf %slice3A_456, %cos3A : vector<512x32xf32>
    %mul3A_461 = arith.mulf %slice3A_455, %sin3A : vector<512x32xf32>
    %add3A_462 = arith.addf %mul3A_460, %mul3A_461 : vector<512x32xf32>
    %concatenate3A_463 = tpu.concatenate %sub3A_459, %add3A_462 in 1 : vector<512x32xf32>, vector<512x32xf32> -> vector<512x64xf32>
    %swap3A_464 = arith.constant 7 : index
    %swap3A_465 = arith.constant 0 : index
    %swap3A_466 = arith.constant 0 : index
    %swap3A_467 = vector.load %arg8[%swap3A_464, %swap3A_465, %swap3A_466] : memref<8x512x64xf32, #tpu.memory_space<vmem>>, vector<1x512x64xf32>
    %swap3A_468 = vector.shape_cast %swap3A_467 : vector<1x512x64xf32> to vector<512x64xf32>
    %swap3A_469 = vector.shape_cast %concatenate3A_463 : vector<512x64xf32> to vector<1x512x64xf32>
    tpu.vector_store %arg8[%swap3A_464, %swap3A_465, %swap3A_466], %swap3A_469 {strides = array<i32>} : memref<8x512x64xf32, #tpu.memory_space<vmem>>, vector<1x512x64xf32>,
    %slice3A_470 = vector.extract_strided_slice %dot_general3A_27 {offsets = [0, 448], sizes = [512, 64], strides = [1, 1]} : vector<512x512xf32> to vector<512x64xf32>
    %swap3A_471 = arith.constant 7 : index
    %swap3A_472 = arith.constant 0 : index
    %swap3A_473 = arith.constant 0 : index
    %swap3A_474 = vector.load %arg9[%swap3A_471, %swap3A_472, %swap3A_473] : memref<8x512x64xf32, #tpu.memory_space<vmem>>, vector<1x512x64xf32>
    %swap3A_475 = vector.shape_cast %swap3A_474 : vector<1x512x64xf32> to vector<512x64xf32>
    %swap3A_476 = vector.shape_cast %slice3A_470 : vector<512x64xf32> to vector<1x512x64xf32>
    tpu.vector_store %arg9[%swap3A_471, %swap3A_472, %swap3A_473], %swap3A_476 {strides = array<i32>} : memref<8x512x64xf32, #tpu.memory_space<vmem>>, vector<1x512x64xf32>,
    return
  }
  func.func @transform_0(%arg0: i32) -> (i32, i32) {
    %c0_i32 = arith.constant 0 : i32
    %c0_i32_0 = arith.constant 0 : i32
    return %arg0, %c0_i32 : i32, i32
  }
  func.func @transform_1(%arg0: i32) -> (i32, i32) {
    %c0_i32 = arith.constant 0 : i32
    %c0_i32_0 = arith.constant 0 : i32
    %c0_i32_1 = arith.constant 0 : i32
    return %c0_i32, %c0_i32_0 : i32, i32
  }
  func.func @transform_2(%arg0: i32) -> (i32, i32) {
    %c0_i32 = arith.constant 0 : i32
    %c0_i32_0 = arith.constant 0 : i32
    %c0_i32_1 = arith.constant 0 : i32
    return %c0_i32, %c0_i32_0 : i32, i32
  }
  func.func @transform_3(%arg0: i32) -> (i32, i32) {
    %c0_i32 = arith.constant 0 : i32
    %c0_i32_0 = arith.constant 0 : i32
    %c0_i32_1 = arith.constant 0 : i32
    return %c0_i32, %c0_i32_0 : i32, i32
  }
  func.func @transform_4(%arg0: i32) -> (i32, i32) {
    %c0_i32 = arith.constant 0 : i32
    %c0_i32_0 = arith.constant 0 : i32
    %c0_i32_1 = arith.constant 0 : i32
    return %c0_i32, %c0_i32_0 : i32, i32
  }
  func.func @transform_5(%arg0: i32) -> (i32, i32) {
    %c0_i32 = arith.constant 0 : i32
    %c0_i32_0 = arith.constant 0 : i32
    return %arg0, %c0_i32 : i32, i32
  }
  func.func @transform_6(%arg0: i32) -> (i32, i32, i32) {
    %c0_i32 = arith.constant 0 : i32
    %c0_i32_0 = arith.constant 0 : i32
    %c0_i32_1 = arith.constant 0 : i32
    return %c0_i32, %arg0, %c0_i32_0 : i32, i32, i32
  }
  func.func @transform_7(%arg0: i32) -> (i32, i32, i32) {
    %c0_i32 = arith.constant 0 : i32
    %c0_i32_0 = arith.constant 0 : i32
    %c0_i32_1 = arith.constant 0 : i32
    return %c0_i32, %arg0, %c0_i32_0 : i32, i32, i32
  }
  func.func @transform_8(%arg0: i32) -> (i32, i32, i32) {
    %c0_i32 = arith.constant 0 : i32
    %c0_i32_0 = arith.constant 0 : i32
    %c0_i32_1 = arith.constant 0 : i32
    return %c0_i32, %arg0, %c0_i32_0 : i32, i32, i32
  }
}

module attributes {stable_mosaic.version = 14 : i64} {
  func.func @_route_kernel(%arg0: memref<2048x1xi32, #tpu.memory_space<vmem>>, %arg1: memref<2048x1xi32, #tpu.memory_space<vmem>>, %arg2: memref<4096x1xi32, #tpu.memory_space<vmem>>, %arg3: memref<16x1xi32, #tpu.memory_space<vmem>>) attributes {dimension_semantics = [], scalar_prefetch = 0 : i64, scratch_operands = 0 : i64, tpu.core_type = #tpu.core_type<tc>} {
    %get3A = arith.constant 0 : index
    %get3A_0 = arith.constant 0 : index
    %get3A_1 = vector.load %arg0[%get3A, %get3A_0] : memref<2048x1xi32, #tpu.memory_space<vmem>>, vector<2048x1xi32>
    %get3A_2 = arith.constant 0 : index
    %get3A_3 = arith.constant 0 : index
    %get3A_4 = vector.load %arg1[%get3A_2, %get3A_3] : memref<2048x1xi32, #tpu.memory_space<vmem>>, vector<2048x1xi32>
    %concatenate3A = tpu.concatenate %get3A_1, %get3A_4 in 0 : vector<2048x1xi32>, vector<2048x1xi32> -> vector<4096x1xi32>
    %iota3A = tpu.iota {dimensions = array<i32: 1>} : vector<4096x8xi32>
    %eq3A = vector.broadcast %concatenate3A : vector<4096x1xi32> to vector<4096x8xi32>
    %eq3A_5 = arith.cmpi eq, %eq3A, %iota3A : vector<4096x8xi32>
    %convert_element_type3A = arith.extui %eq3A_5 : vector<4096x8xi1> to vector<4096x8xi32>
    %broadcast_in_dim3A = arith.constant 0 : i32
    %broadcast_in_dim3A_6 = vector.broadcast %broadcast_in_dim3A : i32 to vector<1x8xi32>
    %slice3A = vector.extract_strided_slice %convert_element_type3A {offsets = [0, 0], sizes = [4095, 8], strides = [1, 1]} : vector<4096x8xi32> to vector<4095x8xi32>
    %concatenate3A_7 = tpu.concatenate %broadcast_in_dim3A_6, %slice3A in 0 : vector<1x8xi32>, vector<4095x8xi32> -> vector<4096x8xi32>
    %add3A = arith.addi %convert_element_type3A, %concatenate3A_7 : vector<4096x8xi32>
    %broadcast_in_dim3A_8 = arith.constant 0 : i32
    %broadcast_in_dim3A_9 = vector.broadcast %broadcast_in_dim3A_8 : i32 to vector<2x8xi32>
    %slice3A_10 = vector.extract_strided_slice %add3A {offsets = [0, 0], sizes = [4094, 8], strides = [1, 1]} : vector<4096x8xi32> to vector<4094x8xi32>
    %concatenate3A_11 = tpu.concatenate %broadcast_in_dim3A_9, %slice3A_10 in 0 : vector<2x8xi32>, vector<4094x8xi32> -> vector<4096x8xi32>
    %add3A_12 = arith.addi %add3A, %concatenate3A_11 : vector<4096x8xi32>
    %broadcast_in_dim3A_13 = arith.constant 0 : i32
    %broadcast_in_dim3A_14 = vector.broadcast %broadcast_in_dim3A_13 : i32 to vector<4x8xi32>
    %slice3A_15 = vector.extract_strided_slice %add3A_12 {offsets = [0, 0], sizes = [4092, 8], strides = [1, 1]} : vector<4096x8xi32> to vector<4092x8xi32>
    %concatenate3A_16 = tpu.concatenate %broadcast_in_dim3A_14, %slice3A_15 in 0 : vector<4x8xi32>, vector<4092x8xi32> -> vector<4096x8xi32>
    %add3A_17 = arith.addi %add3A_12, %concatenate3A_16 : vector<4096x8xi32>
    %broadcast_in_dim3A_18 = arith.constant 0 : i32
    %broadcast_in_dim3A_19 = vector.broadcast %broadcast_in_dim3A_18 : i32 to vector<8x8xi32>
    %slice3A_20 = vector.extract_strided_slice %add3A_17 {offsets = [0, 0], sizes = [4088, 8], strides = [1, 1]} : vector<4096x8xi32> to vector<4088x8xi32>
    %concatenate3A_21 = tpu.concatenate %broadcast_in_dim3A_19, %slice3A_20 in 0 : vector<8x8xi32>, vector<4088x8xi32> -> vector<4096x8xi32>
    %add3A_22 = arith.addi %add3A_17, %concatenate3A_21 : vector<4096x8xi32>
    %broadcast_in_dim3A_23 = arith.constant 0 : i32
    %broadcast_in_dim3A_24 = vector.broadcast %broadcast_in_dim3A_23 : i32 to vector<16x8xi32>
    %slice3A_25 = vector.extract_strided_slice %add3A_22 {offsets = [0, 0], sizes = [4080, 8], strides = [1, 1]} : vector<4096x8xi32> to vector<4080x8xi32>
    %concatenate3A_26 = tpu.concatenate %broadcast_in_dim3A_24, %slice3A_25 in 0 : vector<16x8xi32>, vector<4080x8xi32> -> vector<4096x8xi32>
    %add3A_27 = arith.addi %add3A_22, %concatenate3A_26 : vector<4096x8xi32>
    %broadcast_in_dim3A_28 = arith.constant 0 : i32
    %broadcast_in_dim3A_29 = vector.broadcast %broadcast_in_dim3A_28 : i32 to vector<32x8xi32>
    %slice3A_30 = vector.extract_strided_slice %add3A_27 {offsets = [0, 0], sizes = [4064, 8], strides = [1, 1]} : vector<4096x8xi32> to vector<4064x8xi32>
    %concatenate3A_31 = tpu.concatenate %broadcast_in_dim3A_29, %slice3A_30 in 0 : vector<32x8xi32>, vector<4064x8xi32> -> vector<4096x8xi32>
    %add3A_32 = arith.addi %add3A_27, %concatenate3A_31 : vector<4096x8xi32>
    %broadcast_in_dim3A_33 = arith.constant 0 : i32
    %broadcast_in_dim3A_34 = vector.broadcast %broadcast_in_dim3A_33 : i32 to vector<64x8xi32>
    %slice3A_35 = vector.extract_strided_slice %add3A_32 {offsets = [0, 0], sizes = [4032, 8], strides = [1, 1]} : vector<4096x8xi32> to vector<4032x8xi32>
    %concatenate3A_36 = tpu.concatenate %broadcast_in_dim3A_34, %slice3A_35 in 0 : vector<64x8xi32>, vector<4032x8xi32> -> vector<4096x8xi32>
    %add3A_37 = arith.addi %add3A_32, %concatenate3A_36 : vector<4096x8xi32>
    %broadcast_in_dim3A_38 = arith.constant 0 : i32
    %broadcast_in_dim3A_39 = vector.broadcast %broadcast_in_dim3A_38 : i32 to vector<128x8xi32>
    %slice3A_40 = vector.extract_strided_slice %add3A_37 {offsets = [0, 0], sizes = [3968, 8], strides = [1, 1]} : vector<4096x8xi32> to vector<3968x8xi32>
    %concatenate3A_41 = tpu.concatenate %broadcast_in_dim3A_39, %slice3A_40 in 0 : vector<128x8xi32>, vector<3968x8xi32> -> vector<4096x8xi32>
    %add3A_42 = arith.addi %add3A_37, %concatenate3A_41 : vector<4096x8xi32>
    %broadcast_in_dim3A_43 = arith.constant 0 : i32
    %broadcast_in_dim3A_44 = vector.broadcast %broadcast_in_dim3A_43 : i32 to vector<256x8xi32>
    %slice3A_45 = vector.extract_strided_slice %add3A_42 {offsets = [0, 0], sizes = [3840, 8], strides = [1, 1]} : vector<4096x8xi32> to vector<3840x8xi32>
    %concatenate3A_46 = tpu.concatenate %broadcast_in_dim3A_44, %slice3A_45 in 0 : vector<256x8xi32>, vector<3840x8xi32> -> vector<4096x8xi32>
    %add3A_47 = arith.addi %add3A_42, %concatenate3A_46 : vector<4096x8xi32>
    %broadcast_in_dim3A_48 = arith.constant 0 : i32
    %broadcast_in_dim3A_49 = vector.broadcast %broadcast_in_dim3A_48 : i32 to vector<512x8xi32>
    %slice3A_50 = vector.extract_strided_slice %add3A_47 {offsets = [0, 0], sizes = [3584, 8], strides = [1, 1]} : vector<4096x8xi32> to vector<3584x8xi32>
    %concatenate3A_51 = tpu.concatenate %broadcast_in_dim3A_49, %slice3A_50 in 0 : vector<512x8xi32>, vector<3584x8xi32> -> vector<4096x8xi32>
    %add3A_52 = arith.addi %add3A_47, %concatenate3A_51 : vector<4096x8xi32>
    %broadcast_in_dim3A_53 = arith.constant 0 : i32
    %broadcast_in_dim3A_54 = vector.broadcast %broadcast_in_dim3A_53 : i32 to vector<1024x8xi32>
    %slice3A_55 = vector.extract_strided_slice %add3A_52 {offsets = [0, 0], sizes = [3072, 8], strides = [1, 1]} : vector<4096x8xi32> to vector<3072x8xi32>
    %concatenate3A_56 = tpu.concatenate %broadcast_in_dim3A_54, %slice3A_55 in 0 : vector<1024x8xi32>, vector<3072x8xi32> -> vector<4096x8xi32>
    %add3A_57 = arith.addi %add3A_52, %concatenate3A_56 : vector<4096x8xi32>
    %broadcast_in_dim3A_58 = arith.constant 0 : i32
    %broadcast_in_dim3A_59 = vector.broadcast %broadcast_in_dim3A_58 : i32 to vector<2048x8xi32>
    %slice3A_60 = vector.extract_strided_slice %add3A_57 {offsets = [0, 0], sizes = [2048, 8], strides = [1, 1]} : vector<4096x8xi32> to vector<2048x8xi32>
    %concatenate3A_61 = tpu.concatenate %broadcast_in_dim3A_59, %slice3A_60 in 0 : vector<2048x8xi32>, vector<2048x8xi32> -> vector<4096x8xi32>
    %add3A_62 = arith.addi %add3A_57, %concatenate3A_61 : vector<4096x8xi32>
    %slice3A_63 = vector.extract_strided_slice %add3A_62 {offsets = [4095, 0], sizes = [1, 8], strides = [1, 1]} : vector<4096x8xi32> to vector<1x8xi32>
    %add3A_64 = arith.constant 511 : i32
    %add3A_65 = vector.broadcast %add3A_64 : i32 to vector<1x8xi32>
    %add3A_66 = arith.addi %slice3A_63, %add3A_65 : vector<1x8xi32>
    %jit3A = arith.constant 512 : i32
    %div3A = vector.broadcast %jit3A : i32 to vector<1x8xi32>
    %div3A_67 = arith.divsi %add3A_66, %div3A : vector<1x8xi32>
    %sign3A = arith.constant 0 : i32
    %sign3A_68 = vector.broadcast %sign3A : i32 to vector<1x8xi32>
    %sign3A_69 = arith.cmpi sgt, %add3A_66, %sign3A_68 : vector<1x8xi32>
    %sign3A_70 = arith.extui %sign3A_69 : vector<1x8xi1> to vector<1x8xi32>
    %sign3A_71 = arith.constant 0 : i32
    %sign3A_72 = vector.broadcast %sign3A_71 : i32 to vector<1x8xi32>
    %sign3A_73 = arith.cmpi slt, %add3A_66, %sign3A_72 : vector<1x8xi32>
    %sign3A_74 = arith.extui %sign3A_73 : vector<1x8xi1> to vector<1x8xi32>
    %sign3A_75 = arith.subi %sign3A_70, %sign3A_74 : vector<1x8xi32>
    %sign3A_76 = arith.constant 0 : i32
    %sign3A_77 = arith.cmpi sgt, %jit3A, %sign3A_76 : i32
    %sign3A_78 = arith.extui %sign3A_77 : i1 to i32
    %sign3A_79 = arith.constant 0 : i32
    %sign3A_80 = arith.cmpi slt, %jit3A, %sign3A_79 : i32
    %sign3A_81 = arith.extui %sign3A_80 : i1 to i32
    %sign3A_82 = arith.subi %sign3A_78, %sign3A_81 : i32
    %ne3A = vector.broadcast %sign3A_82 : i32 to vector<1x8xi32>
    %ne3A_83 = arith.cmpi ne, %sign3A_75, %ne3A : vector<1x8xi32>
    %rem3A = vector.broadcast %jit3A : i32 to vector<1x8xi32>
    %rem3A_84 = arith.remsi %add3A_66, %rem3A : vector<1x8xi32>
    %ne3A_85 = arith.constant 0 : i32
    %ne3A_86 = vector.broadcast %ne3A_85 : i32 to vector<1x8xi32>
    %ne3A_87 = arith.cmpi ne, %rem3A_84, %ne3A_86 : vector<1x8xi32>
    %and3A = arith.andi %ne3A_83, %ne3A_87 : vector<1x8xi1>
    %sub3A = arith.constant 1 : i32
    %sub3A_88 = vector.broadcast %sub3A : i32 to vector<1x8xi32>
    %sub3A_89 = arith.subi %div3A_67, %sub3A_88 : vector<1x8xi32>
    %select_n3A = arith.select %and3A, %sub3A_89, %div3A_67 : vector<1x8xi1>, vector<1x8xi32>
    %broadcast_in_dim3A_90 = arith.constant 0 : i32
    %broadcast_in_dim3A_91 = vector.broadcast %broadcast_in_dim3A_90 : i32 to vector<1x1xi32>
    %slice3A_92 = vector.extract_strided_slice %select_n3A {offsets = [0, 0], sizes = [1, 7], strides = [1, 1]} : vector<1x8xi32> to vector<1x7xi32>
    %concatenate3A_93 = tpu.concatenate %broadcast_in_dim3A_91, %slice3A_92 in 1 : vector<1x1xi32>, vector<1x7xi32> -> vector<1x8xi32>
    %add3A_94 = arith.addi %select_n3A, %concatenate3A_93 : vector<1x8xi32>
    %broadcast_in_dim3A_95 = arith.constant 0 : i32
    %broadcast_in_dim3A_96 = vector.broadcast %broadcast_in_dim3A_95 : i32 to vector<1x2xi32>
    %slice3A_97 = vector.extract_strided_slice %add3A_94 {offsets = [0, 0], sizes = [1, 6], strides = [1, 1]} : vector<1x8xi32> to vector<1x6xi32>
    %concatenate3A_98 = tpu.concatenate %broadcast_in_dim3A_96, %slice3A_97 in 1 : vector<1x2xi32>, vector<1x6xi32> -> vector<1x8xi32>
    %add3A_99 = arith.addi %add3A_94, %concatenate3A_98 : vector<1x8xi32>
    %broadcast_in_dim3A_100 = arith.constant 0 : i32
    %broadcast_in_dim3A_101 = vector.broadcast %broadcast_in_dim3A_100 : i32 to vector<1x4xi32>
    %slice3A_102 = vector.extract_strided_slice %add3A_99 {offsets = [0, 0], sizes = [1, 4], strides = [1, 1]} : vector<1x8xi32> to vector<1x4xi32>
    %concatenate3A_103 = tpu.concatenate %broadcast_in_dim3A_101, %slice3A_102 in 1 : vector<1x4xi32>, vector<1x4xi32> -> vector<1x8xi32>
    %add3A_104 = arith.addi %add3A_99, %concatenate3A_103 : vector<1x8xi32>
    %sub3A_105 = arith.subi %add3A_104, %select_n3A : vector<1x8xi32>
    %mul3A = arith.constant 512 : i32
    %mul3A_106 = vector.broadcast %mul3A : i32 to vector<1x8xi32>
    %mul3A_107 = arith.muli %sub3A_105, %mul3A_106 : vector<1x8xi32>
    %sub3A_108 = arith.constant 1 : i32
    %sub3A_109 = vector.broadcast %sub3A_108 : i32 to vector<4096x8xi32>
    %sub3A_110 = arith.subi %add3A_62, %sub3A_109 : vector<4096x8xi32>
    %mul3A_111 = arith.muli %convert_element_type3A, %sub3A_110 : vector<4096x8xi32>
    %reduce_sum3A = arith.constant dense<0> : vector<4096xi32>
    %reduce_sum3A_112 = vector.multi_reduction <add>, %mul3A_111, %reduce_sum3A [1] : vector<4096x8xi32> to vector<4096xi32>
    %broadcast_in_dim3A_113 = vector.shape_cast %reduce_sum3A_112 : vector<4096xi32> to vector<4096x1xi32>
    %mul3A_114 = vector.broadcast %mul3A_107 : vector<1x8xi32> to vector<4096x8xi32>
    %mul3A_115 = arith.muli %convert_element_type3A, %mul3A_114 : vector<4096x8xi32>
    %reduce_sum3A_116 = arith.constant dense<0> : vector<4096xi32>
    %reduce_sum3A_117 = vector.multi_reduction <add>, %mul3A_115, %reduce_sum3A_116 [1] : vector<4096x8xi32> to vector<4096xi32>
    %broadcast_in_dim3A_118 = vector.shape_cast %reduce_sum3A_117 : vector<4096xi32> to vector<4096x1xi32>
    %add3A_119 = arith.addi %broadcast_in_dim3A_118, %broadcast_in_dim3A_113 : vector<4096x1xi32>
    %swap3A = arith.constant 0 : index
    %swap3A_120 = arith.constant 0 : index
    %swap3A_121 = vector.load %arg2[%swap3A, %swap3A_120] : memref<4096x1xi32, #tpu.memory_space<vmem>>, vector<4096x1xi32>
    tpu.vector_store %arg2[%swap3A, %swap3A_120], %add3A_119 {strides = array<i32>} : memref<4096x1xi32, #tpu.memory_space<vmem>>, vector<4096x1xi32>,
    %reduce_sum3A_122 = arith.constant dense<0> : vector<1xi32>
    %reduce_sum3A_123 = vector.multi_reduction <add>, %select_n3A, %reduce_sum3A_122 [1] : vector<1x8xi32> to vector<1xi32>
    %broadcast_in_dim3A_124 = vector.shape_cast %reduce_sum3A_123 : vector<1xi32> to vector<1x1xi32>
    %iota3A_125 = tpu.iota {dimensions = array<i32: 0>} : vector<16x8xi32>
    %ge3A = vector.broadcast %sub3A_105 : vector<1x8xi32> to vector<16x8xi32>
    %ge3A_126 = arith.cmpi sge, %iota3A_125, %ge3A : vector<16x8xi32>
    %convert_element_type3A_127 = arith.extui %ge3A_126 : vector<16x8xi1> to vector<16x8xi32>
    %reduce_sum3A_128 = arith.constant dense<0> : vector<16xi32>
    %reduce_sum3A_129 = vector.multi_reduction <add>, %convert_element_type3A_127, %reduce_sum3A_128 [1] : vector<16x8xi32> to vector<16xi32>
    %broadcast_in_dim3A_130 = vector.shape_cast %reduce_sum3A_129 : vector<16xi32> to vector<16x1xi32>
    %sub3A_131 = arith.constant 1 : i32
    %sub3A_132 = vector.broadcast %sub3A_131 : i32 to vector<16x1xi32>
    %sub3A_133 = arith.subi %broadcast_in_dim3A_130, %sub3A_132 : vector<16x1xi32>
    %iota3A_134 = tpu.iota {dimensions = array<i32: 0>} : vector<16x1xi32>
    %lt3A = vector.broadcast %broadcast_in_dim3A_124 : vector<1x1xi32> to vector<16x1xi32>
    %lt3A_135 = arith.cmpi slt, %iota3A_134, %lt3A : vector<16x1xi32>
    %jit3A_136 = arith.constant 8 : i32
    %broadcast_in_dim3A_137 = vector.broadcast %jit3A_136 : i32 to vector<16x1xi32>
    %select_n3A_138 = arith.select %lt3A_135, %sub3A_133, %broadcast_in_dim3A_137 : vector<16x1xi1>, vector<16x1xi32>
    %swap3A_139 = arith.constant 0 : index
    %swap3A_140 = arith.constant 0 : index
    %swap3A_141 = vector.load %arg3[%swap3A_139, %swap3A_140] : memref<16x1xi32, #tpu.memory_space<vmem>>, vector<16x1xi32>
    tpu.vector_store %arg3[%swap3A_139, %swap3A_140], %select_n3A_138 {strides = array<i32>} : memref<16x1xi32, #tpu.memory_space<vmem>>, vector<16x1xi32>,
    return
  }
}

module attributes {stable_mosaic.version = 14 : i64} {
  func.func @_ffn_kernel(%arg0: i32, %arg1: i32, %arg2: memref<16xi32, #tpu.memory_space<smem>>, %arg3: memref<512x1024xf32, #tpu.memory_space<vmem>>, %arg4: memref<1x1024x512xf32, #tpu.memory_space<vmem>>, %arg5: memref<1x1024x512xf32, #tpu.memory_space<vmem>>, %arg6: memref<1x512x1024xf32, #tpu.memory_space<vmem>>, %arg7: memref<512x1024xf32, #tpu.memory_space<vmem>>) attributes {dimension_semantics = [#tpu.dimension_semantics<arbitrary>, #tpu.dimension_semantics<arbitrary>], iteration_bounds = array<i64: 16, 8>, scalar_prefetch = 1 : i64, scratch_operands = 0 : i64, tpu.core_type = #tpu.core_type<tc>, window_params = [{transform_indices = @transform_0, window_bounds = array<i64: 512, 1024>}, {transform_indices = @transform_1, window_bounds = array<i64: 1, 1024, 512>}, {transform_indices = @transform_2, window_bounds = array<i64: 1, 1024, 512>}, {transform_indices = @transform_3, window_bounds = array<i64: 1, 512, 1024>}, {transform_indices = @transform_4, window_bounds = array<i64: 512, 1024>}]} {
    %get3A = arith.index_cast %arg0 : i32 to index
    %get3A_0 = memref.load %arg2[%get3A] : memref<16xi32, #tpu.memory_space<smem>>
    %lt3A = arith.constant 8 : i32
    %lt3A_1 = arith.cmpi slt, %get3A_0, %lt3A : i32
    %convert_element_type3A = arith.extui %lt3A_1 : i1 to i32
    %cond3A = arith.constant 0 : i32
    %cond3A_2 = arith.cmpi ne, %convert_element_type3A, %cond3A : i32
    scf.if %cond3A_2 {
      %get3A_3 = arith.constant 0 : index
      %get3A_4 = arith.constant 0 : index
      %get3A_5 = vector.load %arg3[%get3A_3, %get3A_4] : memref<512x1024xf32, #tpu.memory_space<vmem>>, vector<512x1024xf32>
      %get3A_6 = arith.constant 0 : index
      %get3A_7 = arith.constant 0 : index
      %get3A_8 = arith.constant 0 : index
      %get3A_9 = vector.load %arg4[%get3A_6, %get3A_7, %get3A_8] : memref<1x1024x512xf32, #tpu.memory_space<vmem>>, vector<1x1024x512xf32>
      %get3A_10 = vector.shape_cast %get3A_9 : vector<1x1024x512xf32> to vector<1024x512xf32>
      %dot_general3A = arith.constant dense<0.000000e+00> : vector<512x512xf32>
      %dot_general3A_11 = tpu.matmul %get3A_5, %get3A_10, %dot_general3A {dimension_numbers = #tpu.dot_dimension_numbers<[1], [0], [0], [1], [0, 0, 1, 1], [], []>, transpose_lhs_hint = false} : vector<512x1024xf32>, vector<1024x512xf32>, vector<512x512xf32> -> vector<512x512xf32>
      %mul3A = arith.constant 5.000000e-01 : f32
      %mul3A_12 = vector.broadcast %mul3A : f32 to vector<512x512xf32>
      %mul3A_13 = arith.mulf %mul3A_12, %dot_general3A_11 : vector<512x512xf32>
      %mul3A_14 = arith.constant 0.707106769 : f32
      %mul3A_15 = vector.broadcast %mul3A_14 : f32 to vector<512x512xf32>
      %mul3A_16 = arith.mulf %dot_general3A_11, %mul3A_15 : vector<512x512xf32>
      %erf3A = math.erf %mul3A_16 : vector<512x512xf32>
      %add3A = arith.constant 1.000000e+00 : f32
      %add3A_17 = vector.broadcast %add3A : f32 to vector<512x512xf32>
      %add3A_18 = arith.addf %add3A_17, %erf3A : vector<512x512xf32>
      %mul3A_19 = arith.mulf %mul3A_13, %add3A_18 : vector<512x512xf32>
      %get3A_20 = arith.constant 0 : index
      %get3A_21 = arith.constant 0 : index
      %get3A_22 = arith.constant 0 : index
      %get3A_23 = vector.load %arg5[%get3A_20, %get3A_21, %get3A_22] : memref<1x1024x512xf32, #tpu.memory_space<vmem>>, vector<1x1024x512xf32>
      %get3A_24 = vector.shape_cast %get3A_23 : vector<1x1024x512xf32> to vector<1024x512xf32>
      %dot_general3A_25 = arith.constant dense<0.000000e+00> : vector<512x512xf32>
      %dot_general3A_26 = tpu.matmul %get3A_5, %get3A_24, %dot_general3A_25 {dimension_numbers = #tpu.dot_dimension_numbers<[1], [0], [0], [1], [0, 0, 1, 1], [], []>, transpose_lhs_hint = false} : vector<512x1024xf32>, vector<1024x512xf32>, vector<512x512xf32> -> vector<512x512xf32>
      %mul3A_27 = arith.mulf %mul3A_19, %dot_general3A_26 : vector<512x512xf32>
      %get3A_28 = arith.constant 0 : index
      %get3A_29 = arith.constant 0 : index
      %get3A_30 = arith.constant 0 : index
      %get3A_31 = vector.load %arg6[%get3A_28, %get3A_29, %get3A_30] : memref<1x512x1024xf32, #tpu.memory_space<vmem>>, vector<1x512x1024xf32>
      %get3A_32 = vector.shape_cast %get3A_31 : vector<1x512x1024xf32> to vector<512x1024xf32>
      %dot_general3A_33 = arith.constant dense<0.000000e+00> : vector<512x1024xf32>
      %dot_general3A_34 = tpu.matmul %mul3A_27, %get3A_32, %dot_general3A_33 {dimension_numbers = #tpu.dot_dimension_numbers<[1], [0], [0], [1], [0, 0, 1, 1], [], []>, precision = #tpu.contract_precision<fp32>, transpose_lhs_hint = false} : vector<512x512xf32>, vector<512x1024xf32>, vector<512x1024xf32> -> vector<512x1024xf32>
      %eq3A = arith.constant 0 : i32
      %eq3A_35 = arith.cmpi eq, %arg1, %eq3A : i32
      %convert_element_type3A_36 = arith.extui %eq3A_35 : i1 to i32
      %cond3A_37 = arith.constant 0 : i32
      %cond3A_38 = arith.cmpi ne, %convert_element_type3A_36, %cond3A_37 : i32
      scf.if %cond3A_38 {
        %swap3A = arith.constant 0 : index
        %swap3A_43 = arith.constant 0 : index
        %swap3A_44 = vector.load %arg7[%swap3A, %swap3A_43] : memref<512x1024xf32, #tpu.memory_space<vmem>>, vector<512x1024xf32>
        tpu.vector_store %arg7[%swap3A, %swap3A_43], %dot_general3A_34 {strides = array<i32>} : memref<512x1024xf32, #tpu.memory_space<vmem>>, vector<512x1024xf32>,
      } else {
      }
      %gt3A = arith.constant 0 : i32
      %gt3A_39 = arith.cmpi sgt, %arg1, %gt3A : i32
      %convert_element_type3A_40 = arith.extui %gt3A_39 : i1 to i32
      %cond3A_41 = arith.constant 0 : i32
      %cond3A_42 = arith.cmpi ne, %convert_element_type3A_40, %cond3A_41 : i32
      scf.if %cond3A_42 {
        %get3A_43 = arith.constant 0 : index
        %get3A_44 = arith.constant 0 : index
        %get3A_45 = vector.load %arg7[%get3A_43, %get3A_44] : memref<512x1024xf32, #tpu.memory_space<vmem>>, vector<512x1024xf32>
        %add3A_46 = arith.addf %get3A_45, %dot_general3A_34 : vector<512x1024xf32>
        %swap3A = arith.constant 0 : index
        %swap3A_47 = arith.constant 0 : index
        %swap3A_48 = vector.load %arg7[%swap3A, %swap3A_47] : memref<512x1024xf32, #tpu.memory_space<vmem>>, vector<512x1024xf32>
        tpu.vector_store %arg7[%swap3A, %swap3A_47], %add3A_46 {strides = array<i32>} : memref<512x1024xf32, #tpu.memory_space<vmem>>, vector<512x1024xf32>,
      } else {
      }
    } else {
    }
    return
  }
  func.func @transform_0(%arg0: i32, %arg1: i32, %arg2: memref<16xi32, #tpu.memory_space<smem>>) -> (i32, i32) {
    %c0_i32 = arith.constant 0 : i32
    %c0_i32_0 = arith.constant 0 : i32
    return %arg0, %c0_i32 : i32, i32
  }
  func.func @transform_1(%arg0: i32, %arg1: i32, %arg2: memref<16xi32, #tpu.memory_space<smem>>) -> (i32, i32, i32) {
    %get3A = arith.index_cast %arg0 : i32 to index
    %get3A_0 = memref.load %arg2[%get3A] : memref<16xi32, #tpu.memory_space<smem>>
    %min3A = arith.constant 7 : i32
    %min3A_1 = arith.minsi %get3A_0, %min3A : i32
    %c0_i32 = arith.constant 0 : i32
    %c0_i32_2 = arith.constant 0 : i32
    return %min3A_1, %c0_i32, %arg1 : i32, i32, i32
  }
  func.func @transform_2(%arg0: i32, %arg1: i32, %arg2: memref<16xi32, #tpu.memory_space<smem>>) -> (i32, i32, i32) {
    %get3A = arith.index_cast %arg0 : i32 to index
    %get3A_0 = memref.load %arg2[%get3A] : memref<16xi32, #tpu.memory_space<smem>>
    %min3A = arith.constant 7 : i32
    %min3A_1 = arith.minsi %get3A_0, %min3A : i32
    %c0_i32 = arith.constant 0 : i32
    %c0_i32_2 = arith.constant 0 : i32
    return %min3A_1, %c0_i32, %arg1 : i32, i32, i32
  }
  func.func @transform_3(%arg0: i32, %arg1: i32, %arg2: memref<16xi32, #tpu.memory_space<smem>>) -> (i32, i32, i32) {
    %get3A = arith.index_cast %arg0 : i32 to index
    %get3A_0 = memref.load %arg2[%get3A] : memref<16xi32, #tpu.memory_space<smem>>
    %min3A = arith.constant 7 : i32
    %min3A_1 = arith.minsi %get3A_0, %min3A : i32
    %c0_i32 = arith.constant 0 : i32
    %c0_i32_2 = arith.constant 0 : i32
    return %min3A_1, %arg1, %c0_i32 : i32, i32, i32
  }
  func.func @transform_4(%arg0: i32, %arg1: i32, %arg2: memref<16xi32, #tpu.memory_space<smem>>) -> (i32, i32) {
    %c0_i32 = arith.constant 0 : i32
    %c0_i32_0 = arith.constant 0 : i32
    return %arg0, %c0_i32 : i32, i32
  }
}

module attributes {stable_mosaic.version = 14 : i64} {
  func.func @_final_kernel(%arg0: i32, %arg1: memref<2x512x1024xf32, #tpu.memory_space<vmem>>, %arg2: memref<512x1xf32, #tpu.memory_space<vmem>>, %arg3: memref<512x1xf32, #tpu.memory_space<vmem>>, %arg4: memref<512x1024xf32, #tpu.memory_space<vmem>>, %arg5: memref<1x1024xf32, #tpu.memory_space<vmem>>, %arg6: memref<512x1024xf32, #tpu.memory_space<vmem>>) attributes {dimension_semantics = [#tpu.dimension_semantics<arbitrary>], iteration_bounds = array<i64: 4>, scalar_prefetch = 0 : i64, scratch_operands = 0 : i64, tpu.core_type = #tpu.core_type<tc>, window_params = [{transform_indices = @transform_0, window_bounds = array<i64: 2, 512, 1024>}, {transform_indices = @transform_1, window_bounds = array<i64: 512, 1>}, {transform_indices = @transform_2, window_bounds = array<i64: 512, 1>}, {transform_indices = @transform_3, window_bounds = array<i64: 512, 1024>}, {pipeline_mode = #tpu.pipeline_mode<synchronous>, transform_indices = @transform_4, window_bounds = array<i64: 1, 1024>}, {transform_indices = @transform_5, window_bounds = array<i64: 512, 1024>}]} {
    %get3A = arith.constant 0 : index
    %get3A_0 = arith.constant 0 : index
    %get3A_1 = vector.load %arg2[%get3A, %get3A_0] : memref<512x1xf32, #tpu.memory_space<vmem>>, vector<512x1xf32>
    %get3A_2 = arith.constant 0 : index
    %get3A_3 = arith.constant 0 : index
    %get3A_4 = arith.constant 0 : index
    %get3A_5 = vector.load %arg1[%get3A_2, %get3A_3, %get3A_4] : memref<2x512x1024xf32, #tpu.memory_space<vmem>>, vector<1x512x1024xf32>
    %get3A_6 = vector.shape_cast %get3A_5 : vector<1x512x1024xf32> to vector<512x1024xf32>
    %mul3A = vector.broadcast %get3A_1 : vector<512x1xf32> to vector<512x1024xf32>
    %mul3A_7 = arith.mulf %mul3A, %get3A_6 : vector<512x1024xf32>
    %get3A_8 = arith.constant 0 : index
    %get3A_9 = arith.constant 0 : index
    %get3A_10 = vector.load %arg3[%get3A_8, %get3A_9] : memref<512x1xf32, #tpu.memory_space<vmem>>, vector<512x1xf32>
    %get3A_11 = arith.constant 1 : index
    %get3A_12 = arith.constant 0 : index
    %get3A_13 = arith.constant 0 : index
    %get3A_14 = vector.load %arg1[%get3A_11, %get3A_12, %get3A_13] : memref<2x512x1024xf32, #tpu.memory_space<vmem>>, vector<1x512x1024xf32>
    %get3A_15 = vector.shape_cast %get3A_14 : vector<1x512x1024xf32> to vector<512x1024xf32>
    %mul3A_16 = vector.broadcast %get3A_10 : vector<512x1xf32> to vector<512x1024xf32>
    %mul3A_17 = arith.mulf %mul3A_16, %get3A_15 : vector<512x1024xf32>
    %add3A = arith.addf %mul3A_7, %mul3A_17 : vector<512x1024xf32>
    %mul3A_18 = arith.mulf %add3A, %add3A : vector<512x1024xf32>
    %reduce_sum3A = arith.constant dense<0.000000e+00> : vector<512xf32>
    %reduce_sum3A_19 = vector.multi_reduction <add>, %mul3A_18, %reduce_sum3A [1] : vector<512x1024xf32> to vector<512xf32>
    %broadcast_in_dim3A = vector.shape_cast %reduce_sum3A_19 : vector<512xf32> to vector<512x1xf32>
    %div3A = arith.constant 1.024000e+03 : f32
    %div3A_20 = vector.broadcast %div3A : f32 to vector<512x1xf32>
    %div3A_21 = arith.divf %broadcast_in_dim3A, %div3A_20 : vector<512x1xf32>
    %get3A_22 = arith.constant 0 : index
    %get3A_23 = arith.constant 0 : index
    %get3A_24 = vector.load %arg4[%get3A_22, %get3A_23] : memref<512x1024xf32, #tpu.memory_space<vmem>>, vector<512x1024xf32>
    %add3A_25 = arith.constant 9.99999974E-6 : f32
    %add3A_26 = vector.broadcast %add3A_25 : f32 to vector<512x1xf32>
    %add3A_27 = arith.addf %div3A_21, %add3A_26 : vector<512x1xf32>
    %rsqrt3A = math.rsqrt %add3A_27 : vector<512x1xf32>
    %mul3A_28 = vector.broadcast %rsqrt3A : vector<512x1xf32> to vector<512x1024xf32>
    %mul3A_29 = arith.mulf %add3A, %mul3A_28 : vector<512x1024xf32>
    %get3A_30 = arith.constant 0 : index
    %get3A_31 = arith.constant 0 : index
    %get3A_32 = vector.load %arg5[%get3A_30, %get3A_31] : memref<1x1024xf32, #tpu.memory_space<vmem>>, vector<1x1024xf32>
    %mul3A_33 = vector.broadcast %get3A_32 : vector<1x1024xf32> to vector<512x1024xf32>
    %mul3A_34 = arith.mulf %mul3A_29, %mul3A_33 : vector<512x1024xf32>
    %add3A_35 = arith.addf %get3A_24, %mul3A_34 : vector<512x1024xf32>
    %swap3A = arith.constant 0 : index
    %swap3A_36 = arith.constant 0 : index
    %swap3A_37 = vector.load %arg6[%swap3A, %swap3A_36] : memref<512x1024xf32, #tpu.memory_space<vmem>>, vector<512x1024xf32>
    tpu.vector_store %arg6[%swap3A, %swap3A_36], %add3A_35 {strides = array<i32>} : memref<512x1024xf32, #tpu.memory_space<vmem>>, vector<512x1024xf32>,
    return
  }
  func.func @transform_0(%arg0: i32) -> (i32, i32, i32) {
    %c0_i32 = arith.constant 0 : i32
    %c0_i32_0 = arith.constant 0 : i32
    %c0_i32_1 = arith.constant 0 : i32
    return %c0_i32, %arg0, %c0_i32_0 : i32, i32, i32
  }
  func.func @transform_1(%arg0: i32) -> (i32, i32) {
    %c0_i32 = arith.constant 0 : i32
    %c0_i32_0 = arith.constant 0 : i32
    return %arg0, %c0_i32 : i32, i32
  }
  func.func @transform_2(%arg0: i32) -> (i32, i32) {
    %c0_i32 = arith.constant 0 : i32
    %c0_i32_0 = arith.constant 0 : i32
    return %arg0, %c0_i32 : i32, i32
  }
  func.func @transform_3(%arg0: i32) -> (i32, i32) {
    %c0_i32 = arith.constant 0 : i32
    %c0_i32_0 = arith.constant 0 : i32
    return %arg0, %c0_i32 : i32, i32
  }
  func.func @transform_4(%arg0: i32) -> (i32, i32) {
    %c0_i32 = arith.constant 0 : i32
    %c0_i32_0 = arith.constant 0 : i32
    %c0_i32_1 = arith.constant 0 : i32
    return %c0_i32, %c0_i32_0 : i32, i32
  }
  func.func @transform_5(%arg0: i32) -> (i32, i32) {
    %c0_i32 = arith.constant 0 : i32
    %c0_i32_0 = arith.constant 0 : i32
    return %arg0, %c0_i32 : i32, i32
  }
}

</mosaic_0001>

<sc_bundles>
// kernel: kernel.10.cloned.1.call-start
scs
__scs_entry_jumppad:
0x0: {  	(pc) =	sbr.rel $0x88, $3  }
0x1: {  	(tag) =	ssettag $0x0;
	lr =	simm.s32 $0x1  }
0x2: {  	[smem:$0x3F93] =	sst lr;
	_ =	strace $0xD0000000  }
0x3: {  	_ = 	snop  }
0x4: {  	_ = 	snop  }
0x5: {  	_ = 	snop  }
0x6: {  	_ = 	snop  }
0x7: {  	_ = 	snop  }
__scs_overlays_trampoline_lowered:
0x8: {  	[smem:$0x3FA2] =	sst s0  }
0x9: {  	[smem:$0x3FA3] =	sst s1  }
0xa: {  	[smem:$0x3FA4] =	sst s2  }
0xb: {  	[smem:$0x3FA5] =	sst s3  }
0xc: {  	[smem:$0x3FA6] =	sst s4  }
0xd: {  	[smem:$0x3FA7] =	sst s5  }
0xe: {  	[smem:$0x3FA8] =	sst s6  }
0xf: {  	[smem:$0x3FA9] =	sst s7  }
0x10: {  	[smem:$0x3FAA] =	sst s8  }
0x11: {  	[smem:$0x3FAB] =	sst s9;
	s0 =	simm.s32 @!p0 $0x0  }
0x12: {  	s1 =	sld [smem:$0x3F91];
	s0 =	simm.s32 @p0 $0x1  }
0x13: {  	[smem:$0x3FAC] =	sst s0;
	s0 =	simm.s32 @!p1 $0x0  }
0x14: {  	s2 =	sld [smem:$0x3F90];
	s0 =	simm.s32 @p1 $0x1  }
0x15: {  	[smem:$0x3FAD] =	sst s0;
	s0 =	simm.s32 @!p2 $0x0  }
0x16: {  	s3 =	sld [smem:$0x3FDB];
	s0 =	simm.s32 @p2 $0x1  }
0x17: {  	s4 =	simm.s32 $0x1BF5;
	[smem:$0x3FAF] =	sst s0  }
0x18: {  	s0 =	sld [smem:$0x3F92];
	_ =	swait.ge [sflag:s4], $0x0  }
0x19: {  	s7 =	sld [smem:$0x3F93]  }
0x1a: {  	s8 =	sadd.s32 $0xFFFFE003, lr  }
0x1b: {  	s9 =	sadd.s32 $0xFFFFFEF7, lr;
	s5 =	simm.s32 $0xFFFFFFFF;
	p2 =	slt.u32 s8, $0xFFFFF086  }
0x1c: {  	p1 =	slt.u32 s9, $0xF7A;
	s5 =	simm.s32 @!p2 $0x0  }
0x1d: {  	s5 =	simm.s32 @p1 $0x1;
	p0 =	seq.s32 s7, s2  }
0x1e: {  	s7 =	smul.u32 @!p0 $0xF7A, s2;
	p2 =	seq.s32 @!p0 s5, $0x0  }
0x1f: {  	s9 =	smul.u32 $0xF7A, s1;
	s8 =	simm.s32 @!p0 $0x1BF5;
	p2 =	por !p2, p0  }
0x20: {  	[sflag:s8] =	ssyncset.s32 @!p0 $0xFFFFF086;
	s6 =	sadd.s32 @!p0 s3, s7;
	s7 =	simm.s32 @!p0 $0x108  }
0x21: {  	s3 =	sadd.s32 s3, s9;
	s6 =	sadd.s32 @!p0 $0x88, s6;
	s7 =	simm.s32 @p2 $0x1082  }
0x22: {  	[simem:s7], [sflag:s8] =	dma.local @!p0 [hbm:s6], $0xF7A  }
0x23: {  	s9 =	sor.u32 $0xD0000000, s2;
	s6 =	simm.s32 $0x108;
	_ =	swait.ge @!p0 [sflag:s8], $0x0  }
0x24: {  	s3 =	sadd.s32 $0x88, s3;
	s6 =	simm.s32 @!p1 $0x1082;
	[sflag:s4] =	ssyncset.s32 $0xFFFFF086  }
0x25: {  	[simem:s6], [sflag:s4] =	dma.local [hbm:s3], $0xF7A  }
0x26: {  	[smem:$0x3F93] =	sst s1;
	(tag) =	ssettag s2;
	_ =	strace s9  }
0x27: {  	s1 =	sld [smem:$0x3FA3]  }
0x28: {  	s2 =	sld [smem:$0x3FA4]  }
0x29: {  	s4 =	sld [smem:$0x3FA6]  }
0x2a: {  	p0 =	seq.s32 s5, $0x0;
	s5 =	sld [smem:$0x3FA7]  }
0x2b: {  	s6 =	sld [smem:$0x3FA8]  }
0x2c: {  	s7 =	sld [smem:$0x3FA9]  }
0x2d: {  	s3 =	simm.s32 $0x108;
	s8 =	sld [smem:$0x3FAA]  }
0x2e: {  	s3 =	simm.s32 @!p0 $0x1082;
	s9 =	sld [smem:$0x3FAB]  }
0x2f: {  	lr =	sadd.s32 s0, s3;
	s0 =	sld [smem:$0x3FA2]  }
0x30: {  	s3 =	sld [smem:$0x3FA5]  }
0x31: {  	[smem:$0x3FAE] =	sst s10  }
0x32: {  	s10 =	sld [smem:$0x3FAC];
	_ =	sdelay $0x3  }
0x33: {  	p0 =	seq.s32 s10, $0x1;
	s10 =	sld [smem:$0x3FAE];
	_ =	sdelay $0x3  }
0x34: {  	[smem:$0x3FAE] =	sst s10  }
0x35: {  	s10 =	sld [smem:$0x3FAD];
	_ =	sdelay $0x3  }
0x36: {  	p1 =	seq.s32 s10, $0x1;
	s10 =	sld [smem:$0x3FAE];
	_ =	sdelay $0x3  }
0x37: {  	[smem:$0x3FAE] =	sst s10  }
0x38: {  	s10 =	sld [smem:$0x3FAF]  }
0x39: {  	_ = 	snop;
	(pc) =	sbr.ind lr, $3  }
0x3a: {  	_ = 	snop  }
0x3b: {  	_ = 	snop  }
0x3c: {  	p2 =	seq.s32 s10, $0x1;
	s10 =	sld [smem:$0x3FAE]  }
0x3d: {  	_ =	shalt  }
0x3e: {  	_ =	shalt  }
0x3f: {  	_ =	shalt  }
0x40: {  	_ =	shalt  }
0x41: {  	_ =	shalt  }
0x42: {  	_ =	shalt  }
0x43: {  	_ =	shalt  }
0x44: {  	_ =	shalt  }
0x45: {  	_ =	shalt  }
0x46: {  	_ =	shalt  }
0x47: {  	_ =	shalt  }
0x48: {  	_ =	shalt  }
0x49: {  	_ =	shalt  }
0x4a: {  	_ =	shalt  }
0x4b: {  	_ =	shalt  }
0x4c: {  	_ =	shalt  }
0x4d: {  	_ =	shalt  }
0x4e: {  	_ =	shalt  }
0x4f: {  	_ =	shalt  }
0x50: {  	_ =	shalt  }
0x51: {  	_ =	shalt  }
0x52: {  	_ =	shalt  }
0x53: {  	_ =	shalt  }
0x54: {  	_ =	shalt  }
0x55: {  	_ =	shalt  }
0x56: {  	_ =	shalt  }
0x57: {  	_ =	shalt  }
0x58: {  	_ =	shalt  }
0x59: {  	_ =	shalt  }
0x5a: {  	_ =	shalt  }
0x5b: {  	_ =	shalt  }
0x5c: {  	_ =	shalt  }
0x5d: {  	_ =	shalt  }
0x5e: {  	_ =	shalt  }
0x5f: {  	_ =	shalt  }
0x60: {  	_ =	shalt  }
0x61: {  	_ =	shalt  }
0x62: {  	_ =	shalt  }
0x63: {  	_ =	shalt  }
0x64: {  	_ =	shalt  }
0x65: {  	_ =	shalt  }
0x66: {  	_ =	shalt  }
0x67: {  	_ =	shalt  }
0x68: {  	_ =	shalt  }
0x69: {  	_ =	shalt  }
0x6a: {  	_ =	shalt  }
0x6b: {  	_ =	shalt  }
0x6c: {  	_ =	shalt  }
0x6d: {  	_ =	shalt  }
0x6e: {  	_ =	shalt  }
0x6f: {  	_ =	shalt  }
0x70: {  	_ =	shalt  }
0x71: {  	_ =	shalt  }
0x72: {  	_ =	shalt  }
0x73: {  	_ =	shalt  }
0x74: {  	_ =	shalt  }
0x75: {  	_ =	shalt  }
0x76: {  	_ =	shalt  }
0x77: {  	_ =	shalt  }
0x78: {  	_ =	shalt  }
0x79: {  	_ =	shalt  }
0x7a: {  	_ =	shalt  }
0x7b: {  	_ =	shalt  }
0x7c: {  	_ =	shalt  }
0x7d: {  	_ =	shalt  }
0x7e: {  	_ =	shalt  }
0x7f: {  	_ =	shalt  }
0x80: {  	_ =	shalt  }
0x81: {  	_ =	shalt  }
0x82: {  	_ =	shalt  }
0x83: {  	_ =	shalt  }
0x84: {  	_ =	shalt  }
0x85: {  	_ =	shalt  }
0x86: {  	_ =	shalt  }
0x87: {  	_ =	shalt  }
.Lfunc_end0:
.L_simem_size_0:
called_computation_lowered:
.L_overlay_start_0:
0x88: {  	s2 =	sld [smem:$0x3FD9]  }
0x89: {  	s3 =	sld [smem:$0x3FFE];
	_ =	sdelay $0x1  }
0x8a: {  	s1 =	srdreg.scid  }
0x8b: {  	s0 =	sand.u32 $0x1, s1  }
0x8c: {  	s17 =	sshll.u32 s0, $0xA;
	s2 =	sadd.s32 s3, s2  }
0x8d: {  	s2 =	sadd.s32 s2, s17  }
0x8e: {  	[smem:$0x3FBA] =	sst s2  }
0x8f: {  	_ = 	snop  }
0x90: {  	s2 =	sld [smem:$0x3FD0];
	(tm) =	ssettm $0x1  }
0x91: {  	s18 =	sld [smem:$0x3FFB];
	_ =	sdelay $0x3  }
0x92: {  	_ =	strace s18  }
0x93: {  	s3 =	sld [smem:$0x3FFC];
	_ =	sdelay $0x3  }
0x94: {  	_ =	strace s3  }
0x95: {  	s3 =	sld [smem:$0x3FFD];
	_ =	sdelay $0x3  }
0x96: {  	_ =	strace s3  }
0x97: {  	_ =	strace $0x8FFFFFFF  }
0x98: {  	s19 =	sld [smem:$0x3FDB];
	_ =	sdelay $0x1  }
0x99: {  	s4 =	simm.s32 $_scs_section_size  }
0x9a: {  	s5 =	simm.s32 $_size__tile_overlayer_lowered;
	s6 =	simm.s32 $_tile_overlayer_lowered  }
0x9b: {  	s22 =	simm.s32 $0x1BFF;
	s21 =	sshll.u32 s6, $0x1;
	s3 =	sadd.s32 s4, s19  }
0x9c: {  	s7 =	simm.s32 $0x0;
	s20 =	sshll.u32 s5, $0x1;
	s5 =	sadd.s32 s21, s3  }
0x9d: {  	[timem:s7], [sflag:s22] =	dma.local [hbm:s5], s20  }
0x9e: {  	_ =	swait.ge [sflag:s22], s20  }
0x9f: {  	s4 =	ssub.s32 $0x0, s20;
	[sflag:s22] =	ssyncset.done $0x0  }
0xa0: {  	[sflag:s22] =	ssyncadd.s32 s4;
	_ =	sdelay $0x1  }
0xa1: {  	s23 =	simm.s32 $0x1B8B  }
0xa2: {  	_ =	swait.ge [sflag:s23], $0x1  }
0xa3: {  	[sflag:s23] =	ssyncset.done $0x0  }
0xa4: {  	s25 =	simm.s32 $0x1B8E;
	s24 =	sld [smem:$0x3FFE];
	[sflag:s23] =	ssyncadd.s32 $0xFFFFFFFF  }
0xa5: {  	s26 =	simm.s32 $execute0_lowered;
	[smem:$0x3FD2] =	sst s25  }
0xa6: {  	s5 =	sshll.u32 s26, $0x1;
	_ =	strace $0x80000046;
	[dreg:$0x1] =	wrdreg $0xFFFFFFFF  }
0xa7: {  	s28 =	simm.s32 $_size_execute0_lowered;
	s3 =	sadd.s32 s3, s5;
	[dreg:$0x0] =	wrdreg $0x0  }
0xa8: {  	s5 =	sshll.u32 s28, $0x1;
	[dreg:$0x2] =	wrdreg s3  }
0xa9: {  	[dreg:$0x3] =	wrdreg s5  }
0xaa: {  	[dreg:$0x4] =	wrdreg $0xC0  }
0xab: {  	_ =	task [dreg:s7], $0x5FFFF  }
0xac: {  	[dreg:$0x1] =	wrdreg $0xFFFFFFFF  }
0xad: {  	[dreg:$0x0] =	wrdreg $0x60  }
0xae: {  	[dreg:$0x2] =	wrdreg s2  }
0xaf: {  	[dreg:$0x3] =	wrdreg s24  }
0xb0: {  	[dreg:$0x4] =	wrdreg $0x9  }
0xb1: {  	_ =	task.clear_ibuf [dreg:s7], $0x5FFFF;
	_ =	strace $0x90000046  }
0xb2: {  	s29 =	simm.s32 $0x9;
	_ =	strace $0x80000048  }
0xb3: {  	_ =	swait.ge [sflag:s29], $0x1  }
0xb4: {  	[sflag:s29] =	ssyncadd.s32 $0xFFFFFFFF  }
0xb5: {  	_ =	strace $0x90000048  }
0xb6: {  	_ =	sfence  }
0xb7: {  	s30 =	sld [smem:$0x0];
	_ =	sdelay $0x2  }
0xb8: {  	s31 =	sshll.u32 s1, $0xD;
	s1 =	sshrl.u32 s1, $0x2  }
0xb9: {  	s3 =	sand.u32 $0x4000, s31;
	s1 =	sadd.s32 s1, s30  }
0xba: {  	s0 =	sor.u32 s3, s0;
	s1 =	sshll.u32 s1, $0x11  }
0xbb: {  	s0 =	sor.u32 s1, s0  }
0xbc: {  	s0 =	sadd.s32 $0x8F2B, s0  }
0xbd: {  	[sflag:s0] =	ssyncadd.remote.s32 $0x1  }
0xbe: {  	_ =	sfence.sel $0xFFFF  }
0xbf: {  	[dreg:$0x0] =	wrdreg $0xFFFFFFFF;
	(pc) =	sbr.abs _section_cstart, $3  }
0xc0: {  	[dreg:$0x1] =	wrdreg $0xFFFFFFFF  }
0xc1: {  	_ =	task.clear_ibuf [dreg:s7], $0x2FFFF;
	_ =	strace $0x9FFFFFFF  }
0xc2: {  	(tm) =	ssettm $0x7FFFFFFF  }
0xc3: {  	_ =	shalt  }
tec
execute0_lowered:
.L_overlay_start_1:
0x0: {  	(tag) =	ssettag $0x1  }
0x1: {  	s0 =	rddreg [dreg:$0x0]  }
0x2: {  	s1 =	rddreg [dreg:$0x1];
	s3 =	srdreg.scid  }
0x3: {  	s2 =	simm.s32 $0x0;
	s5 =	stileid.u32;
	s18 =	simm.s32 $0x1  }
0x4: {  	s20 =	simm.s32 $0x880;
	s28 =	simm.s32 $0x4080;
	s29 =	simm.s32 $0x4880  }
0x5: {  	s30 =	simm.s32 $0x5080;
	s31 =	simm.s32 $0x5880;
	s10 =	simm.s32 $0x7080  }
0x6: {  	s11 =	simm.s32 $0x7880;
	s12 =	simm.s32 $0x8080;
	s13 =	simm.s32 $0x8880  }
0x7: {  	s14 =	simm.s32 $0x9080;
	s15 =	simm.s32 $0x9880;
	s16 =	simm.s32 $0xA080  }
0x8: {  	s17 =	simm.s32 $0xA880;
	s4 =	sand.u32 $0x1, s3;
	[smem:$0x7FF] =	sst s2  }
0x9: {  	s21 =	sshll.u32 s5, $0x8;
	s6 =	sadd.s32 $0x52200, s1;
	s3 =	sadd.s32 $0x52400, s1  }
0xa: {  	s22 =	sshll.u32 s4, $0x7;
	_ =	strace $0x80000047;
	s4 =	ssub.s32 $0x2, s4  }
0xb: {  	s5 =	sor.u32 s22, s21;
	s9 =	sshrl.u32 s4, $0x1;
	s21 =	simm.s32 $0x1080  }
0xc: {  	s22 =	simm.s32 $0x1880;
	s7 =	sshrl.u32 s5, $0x3;
	s8 =	sshll.u32 s5, $0x7  }
0xd: {  	s24 =	ssub.s32 s4, s9;
	s5 =	sor.u32 $0x40, s5;
	s4 =	sadd.s32 $0x52500, s1  }
0xe: {  	s7 =	sadd.s32 s6, s7;
	s8 =	sand.u32 $0x3C000, s8;
	s25 =	sshrl.u32 s5, $0x3  }
0xf: {  	s26 =	sshll.u32 s5, $0x7;
	s5 =	sadd.s32 $0x52600, s1;
	[dreg:$0x3] =	wrdreg s7  }
0x10: {  	s23 =	sadd.s32 s0, s8;
	s7 =	sadd.s32 s6, s25;
	s9 =	sand.u32 $0x3E000, s26  }
0x11: {  	s6 =	sadd.s32 $0x52700, s1;
	s8 =	simm.s32 $0x2;
	[dreg:$0x4] =	wrdreg s23  }
0x12: {  	v2 =	vlaneseq.u32;
	s25 =	simm.s32 $0x3080;
	s26 =	simm.s32 $0x3880;
	[dreg:$0x5] =	wrdreg s7  }
0x13: {  	vm0 =	vmmov $0xffff;
	v1 =	vshrl.u32 v2, $0x3;
	s0 =	sadd.s32 s0, s9;
	s7 =	smax.u32 s24, $0x1;
	s23 =	simm.s32 $0x2080  }
0x14: {  	v0 =	vand.u32 $0x7, v2;
	v2 =	vor.u32 $0x8, v2;
	v1 =	vmul.u32 $0x8, v1;
	s24 =	simm.s32 $0x2880;
	s9 =	simm.s32 $0xB080;
	[dreg:$0x6] =	wrdreg s0  }
.LBB2_1:
0x15: {  	s19 =	rddreg [dreg:$0x3]  }
0x16: {  	[tilespmem:s2], [sflag:$0x2] =	stream.linear.gather [hbm4b:s19+s2], $0x40, $0x38;
	[tilespmem:$0x10080] =	vst v63  }
0x17: {  	_ =	swait.ge [sflag:s8], $0x40  }
0x18: {  	[sflag:s8] =	ssyncset.done $0x0  }
0x19: {  	s0 =	simm.s32 $0x80;
	s1 =	rddreg [dreg:$0x4];
	[sflag:s8] =	ssyncadd.s32 $0xFFFFFFC0  }
0x1a: {  	[tilespmem:s0], [sflag:$0x2] =	stream.linear.gather [hbm4b:s1+s2], $0x10000, $0x38;
	[tilespmem:$0x10080] =	vst v63  }
0x1b: {  	_ =	swait.ge [sflag:s8], $0x10000  }
0x1c: {  	[sflag:s8] =	ssyncset.done $0x0  }
0x1d: {  	[sflag:s8] =	ssyncadd.s32 $0xFFFF0000  }
0x1e: {  	v3 =	vld [tilespmem:$0x0];
	_ =	sdelay $0x4  }
0x1f: {  	v4 =	vshll.u32 v3, $0x3  }
0x20: {  	v3 =	vand.u32 $0x7, v3;
	v4 =	vand.u32 $0xFFFFFFC0, v4  }
0x21: {  	v3 =	vor.u32 v3, v4  }
0x22: {  	v4 =	vperm.xlane v3, v0;
	_ =	sdelay $0x1  }
0x23: {  	v4 =	vadd.s32 v1, v4;
	_ =	sdelay $0x4  }
0x24: {  	[hbm4b:s3+s2] =	stream.indirect_vreg.scatter [tilespmem:s0], [sflag:$0x1], $0x80, v4, vm0, $0xb8;
	[tilespmem:$0x10080] =	vst v63  }
0x25: {  	v3 =	vperm.xlane v3, v2  }
0x26: {  	[hbm4b:s4+s2] =	stream.indirect_vreg.scatter [tilespmem:s20], [sflag:$0x1], $0x80, v4, vm0, $0xb8;
	[tilespmem:$0x10080] =	vst v63  }
0x27: {  	v3 =	vadd.s32 v1, v3  }
0x28: {  	[hbm4b:s5+s2] =	stream.indirect_vreg.scatter [tilespmem:s21], [sflag:$0x1], $0x80, v4, vm0, $0xb8;
	[tilespmem:$0x10080] =	vst v63  }
0x29: {  	_ = 	snop  }
0x2a: {  	[hbm4b:s6+s2] =	stream.indirect_vreg.scatter [tilespmem:s22], [sflag:$0x1], $0x80, v4, vm0, $0xb8;
	[tilespmem:$0x10080] =	vst v63  }
0x2b: {  	_ = 	snop  }
0x2c: {  	[hbm4b:s3+s2] =	stream.indirect_vreg.scatter [tilespmem:s23], [sflag:$0x1], $0x80, v3, vm0, $0xb8;
	[tilespmem:$0x10080] =	vst v63  }
0x2d: {  	_ = 	snop  }
0x2e: {  	[hbm4b:s4+s2] =	stream.indirect_vreg.scatter [tilespmem:s24], [sflag:$0x1], $0x80, v3, vm0, $0xb8;
	[tilespmem:$0x10080] =	vst v63  }
0x2f: {  	_ = 	snop  }
0x30: {  	[hbm4b:s5+s2] =	stream.indirect_vreg.scatter [tilespmem:s25], [sflag:$0x1], $0x80, v3, vm0, $0xb8;
	[tilespmem:$0x10080] =	vst v63  }
0x31: {  	_ = 	snop  }
0x32: {  	[hbm4b:s6+s2] =	stream.indirect_vreg.scatter [tilespmem:s26], [sflag:$0x1], $0x80, v3, vm0, $0xb8;
	[tilespmem:$0x10080] =	vst v63  }
0x33: {  	v3 =	vld [tilespmem:$0x10];
	_ =	sdelay $0x4  }
0x34: {  	v57 =	vshll.u32 v3, $0x3  }
0x35: {  	v3 =	vand.u32 $0x7, v3;
	v4 =	vand.u32 $0xFFFFFFC0, v57  }
0x36: {  	v3 =	vor.u32 v3, v4  }
0x37: {  	v4 =	vperm.xlane v3, v0;
	_ =	sdelay $0x1  }
0x38: {  	v4 =	vadd.s32 v1, v4;
	_ =	sdelay $0x4  }
0x39: {  	[hbm4b:s3+s2] =	stream.indirect_vreg.scatter [tilespmem:s28], [sflag:$0x1], $0x80, v4, vm0, $0xb8;
	[tilespmem:$0x10080] =	vst v63  }
0x3a: {  	v3 =	vperm.xlane v3, v2  }
0x3b: {  	[hbm4b:s4+s2] =	stream.indirect_vreg.scatter [tilespmem:s29], [sflag:$0x1], $0x80, v4, vm0, $0xb8;
	[tilespmem:$0x10080] =	vst v63  }
0x3c: {  	v3 =	vadd.s32 v1, v3  }
0x3d: {  	[hbm4b:s5+s2] =	stream.indirect_vreg.scatter [tilespmem:s30], [sflag:$0x1], $0x80, v4, vm0, $0xb8;
	[tilespmem:$0x10080] =	vst v63  }
0x3e: {  	_ = 	snop  }
0x3f: {  	[hbm4b:s6+s2] =	stream.indirect_vreg.scatter [tilespmem:s31], [sflag:$0x1], $0x80, v4, vm0, $0xb8;
	[tilespmem:$0x10080] =	vst v63  }
0x40: {  	s1 =	simm.s32 $0x6080  }
0x41: {  	[hbm4b:s3+s2] =	stream.indirect_vreg.scatter [tilespmem:s1], [sflag:$0x1], $0x80, v3, vm0, $0xb8;
	[tilespmem:$0x10080] =	vst v63  }
0x42: {  	s1 =	simm.s32 $0x6880  }
0x43: {  	[hbm4b:s4+s2] =	stream.indirect_vreg.scatter [tilespmem:s1], [sflag:$0x1], $0x80, v3, vm0, $0xb8;
	[tilespmem:$0x10080] =	vst v63  }
0x44: {  	_ = 	snop  }
0x45: {  	[hbm4b:s5+s2] =	stream.indirect_vreg.scatter [tilespmem:s10], [sflag:$0x1], $0x80, v3, vm0, $0xb8;
	[tilespmem:$0x10080] =	vst v63  }
0x46: {  	_ = 	snop  }
0x47: {  	[hbm4b:s6+s2] =	stream.indirect_vreg.scatter [tilespmem:s11], [sflag:$0x1], $0x80, v3, vm0, $0xb8;
	[tilespmem:$0x10080] =	vst v63  }
0x48: {  	v3 =	vld [tilespmem:$0x20];
	_ =	sdelay $0x4  }
0x49: {  	v58 =	vshll.u32 v3, $0x3  }
0x4a: {  	v3 =	vand.u32 $0x7, v3;
	v4 =	vand.u32 $0xFFFFFFC0, v58  }
0x4b: {  	v3 =	vor.u32 v3, v4  }
0x4c: {  	v4 =	vperm.xlane v3, v0;
	_ =	sdelay $0x1  }
0x4d: {  	v4 =	vadd.s32 v1, v4;
	_ =	sdelay $0x4  }
0x4e: {  	[hbm4b:s3+s2] =	stream.indirect_vreg.scatter [tilespmem:s12], [sflag:$0x1], $0x80, v4, vm0, $0xb8;
	[tilespmem:$0x10080] =	vst v63  }
0x4f: {  	v3 =	vperm.xlane v3, v2  }
0x50: {  	[hbm4b:s4+s2] =	stream.indirect_vreg.scatter [tilespmem:s13], [sflag:$0x1], $0x80, v4, vm0, $0xb8;
	[tilespmem:$0x10080] =	vst v63  }
0x51: {  	v3 =	vadd.s32 v1, v3  }
0x52: {  	[hbm4b:s5+s2] =	stream.indirect_vreg.scatter [tilespmem:s14], [sflag:$0x1], $0x80, v4, vm0, $0xb8;
	[tilespmem:$0x10080] =	vst v63  }
0x53: {  	_ = 	snop  }
0x54: {  	[hbm4b:s6+s2] =	stream.indirect_vreg.scatter [tilespmem:s15], [sflag:$0x1], $0x80, v4, vm0, $0xb8;
	[tilespmem:$0x10080] =	vst v63  }
0x55: {  	_ = 	snop  }
0x56: {  	[hbm4b:s3+s2] =	stream.indirect_vreg.scatter [tilespmem:s16], [sflag:$0x1], $0x80, v3, vm0, $0xb8;
	[tilespmem:$0x10080] =	vst v63  }
0x57: {  	_ = 	snop  }
0x58: {  	[hbm4b:s4+s2] =	stream.indirect_vreg.scatter [tilespmem:s17], [sflag:$0x1], $0x80, v3, vm0, $0xb8;
	[tilespmem:$0x10080] =	vst v63  }
0x59: {  	_ = 	snop  }
0x5a: {  	[hbm4b:s5+s2] =	stream.indirect_vreg.scatter [tilespmem:s9], [sflag:$0x1], $0x80, v3, vm0, $0xb8;
	[tilespmem:$0x10080] =	vst v63  }
0x5b: {  	s19 =	simm.s32 $0xB880  }
0x5c: {  	[hbm4b:s6+s2] =	stream.indirect_vreg.scatter [tilespmem:s19], [sflag:$0x1], $0x80, v3, vm0, $0xb8;
	[tilespmem:$0x10080] =	vst v63  }
0x5d: {  	v3 =	vld [tilespmem:$0x30];
	_ =	sdelay $0x4  }
0x5e: {  	v59 =	vshll.u32 v3, $0x3  }
0x5f: {  	v3 =	vand.u32 $0x7, v3;
	v4 =	vand.u32 $0xFFFFFFC0, v59  }
0x60: {  	v3 =	vor.u32 v3, v4  }
0x61: {  	v4 =	vperm.xlane v3, v0;
	_ =	sdelay $0x1  }
0x62: {  	v4 =	vadd.s32 v1, v4;
	_ =	sdelay $0x3  }
0x63: {  	s19 =	simm.s32 $0xC080  }
0x64: {  	[hbm4b:s3+s2] =	stream.indirect_vreg.scatter [tilespmem:s19], [sflag:$0x1], $0x80, v4, vm0, $0xb8;
	[tilespmem:$0x10080] =	vst v63  }
0x65: {  	v3 =	vperm.xlane v3, v2;
	s19 =	simm.s32 $0xC880  }
0x66: {  	[hbm4b:s4+s2] =	stream.indirect_vreg.scatter [tilespmem:s19], [sflag:$0x1], $0x80, v4, vm0, $0xb8;
	[tilespmem:$0x10080] =	vst v63  }
0x67: {  	v3 =	vadd.s32 v1, v3;
	s19 =	simm.s32 $0xD080  }
0x68: {  	[hbm4b:s5+s2] =	stream.indirect_vreg.scatter [tilespmem:s19], [sflag:$0x1], $0x80, v4, vm0, $0xb8;
	[tilespmem:$0x10080] =	vst v63  }
0x69: {  	s19 =	simm.s32 $0xD880  }
0x6a: {  	[hbm4b:s6+s2] =	stream.indirect_vreg.scatter [tilespmem:s19], [sflag:$0x1], $0x80, v4, vm0, $0xb8;
	[tilespmem:$0x10080] =	vst v63  }
0x6b: {  	s19 =	simm.s32 $0xE080  }
0x6c: {  	[hbm4b:s3+s2] =	stream.indirect_vreg.scatter [tilespmem:s19], [sflag:$0x1], $0x80, v3, vm0, $0xb8;
	[tilespmem:$0x10080] =	vst v63  }
0x6d: {  	s19 =	simm.s32 $0xE880  }
0x6e: {  	[hbm4b:s4+s2] =	stream.indirect_vreg.scatter [tilespmem:s19], [sflag:$0x1], $0x80, v3, vm0, $0xb8;
	[tilespmem:$0x10080] =	vst v63  }
0x6f: {  	s19 =	simm.s32 $0xF080  }
0x70: {  	[hbm4b:s5+s2] =	stream.indirect_vreg.scatter [tilespmem:s19], [sflag:$0x1], $0x80, v3, vm0, $0xb8;
	[tilespmem:$0x10080] =	vst v63  }
0x71: {  	s19 =	simm.s32 $0xF880  }
0x72: {  	[hbm4b:s6+s2] =	stream.indirect_vreg.scatter [tilespmem:s19], [sflag:$0x1], $0x80, v3, vm0, $0xb8;
	[tilespmem:$0x10080] =	vst v63  }
0x73: {  	_ =	swait.ge [sflag:s18], $0x10000  }
0x74: {  	[sflag:s18] =	ssyncset.done $0x0  }
0x75: {  	s19 =	rddreg [dreg:$0x5];
	[sflag:s18] =	ssyncadd.s32 $0xFFFF0000  }
0x76: {  	[tilespmem:s2], [sflag:$0x2] =	stream.linear.gather [hbm4b:s19+s2], $0x40, $0x38;
	[tilespmem:$0x10080] =	vst v63  }
0x77: {  	_ =	swait.ge [sflag:s8], $0x40  }
0x78: {  	[sflag:s8] =	ssyncset.done $0x0  }
0x79: {  	s19 =	rddreg [dreg:$0x6];
	[sflag:s8] =	ssyncadd.s32 $0xFFFFFFC0  }
0x7a: {  	[tilespmem:s0], [sflag:$0x2] =	stream.linear.gather [hbm4b:s19+s2], $0x10000, $0x38;
	[tilespmem:$0x10080] =	vst v63  }
0x7b: {  	_ =	swait.ge [sflag:s8], $0x10000  }
0x7c: {  	[sflag:s8] =	ssyncset.done $0x0  }
0x7d: {  	[sflag:s8] =	ssyncadd.s32 $0xFFFF0000  }
0x7e: {  	v3 =	vld [tilespmem:$0x0];
	_ =	sdelay $0x4  }
0x7f: {  	v60 =	vshll.u32 v3, $0x3  }
0x80: {  	v3 =	vand.u32 $0x7, v3;
	v4 =	vand.u32 $0xFFFFFFC0, v60  }
0x81: {  	v3 =	vor.u32 v3, v4  }
0x82: {  	v4 =	vperm.xlane v3, v0;
	_ =	sdelay $0x1  }
0x83: {  	v4 =	vadd.s32 v1, v4;
	_ =	sdelay $0x4  }
0x84: {  	[hbm4b:s3+s2] =	stream.indirect_vreg.scatter [tilespmem:s0], [sflag:$0x1], $0x80, v4, vm0, $0xb8;
	[tilespmem:$0x10080] =	vst v63  }
0x85: {  	v3 =	vperm.xlane v3, v2  }
0x86: {  	[hbm4b:s4+s2] =	stream.indirect_vreg.scatter [tilespmem:s20], [sflag:$0x1], $0x80, v4, vm0, $0xb8;
	[tilespmem:$0x10080] =	vst v63  }
0x87: {  	v3 =	vadd.s32 v1, v3  }
0x88: {  	[hbm4b:s5+s2] =	stream.indirect_vreg.scatter [tilespmem:s21], [sflag:$0x1], $0x80, v4, vm0, $0xb8;
	[tilespmem:$0x10080] =	vst v63  }
0x89: {  	_ = 	snop  }
0x8a: {  	[hbm4b:s6+s2] =	stream.indirect_vreg.scatter [tilespmem:s22], [sflag:$0x1], $0x80, v4, vm0, $0xb8;
	[tilespmem:$0x10080] =	vst v63  }
0x8b: {  	_ = 	snop  }
0x8c: {  	[hbm4b:s3+s2] =	stream.indirect_vreg.scatter [tilespmem:s23], [sflag:$0x1], $0x80, v3, vm0, $0xb8;
	[tilespmem:$0x10080] =	vst v63  }
0x8d: {  	_ = 	snop  }
0x8e: {  	[hbm4b:s4+s2] =	stream.indirect_vreg.scatter [tilespmem:s24], [sflag:$0x1], $0x80, v3, vm0, $0xb8;
	[tilespmem:$0x10080] =	vst v63  }
0x8f: {  	_ = 	snop  }
0x90: {  	[hbm4b:s5+s2] =	stream.indirect_vreg.scatter [tilespmem:s25], [sflag:$0x1], $0x80, v3, vm0, $0xb8;
	[tilespmem:$0x10080] =	vst v63  }
0x91: {  	_ = 	snop  }
0x92: {  	[hbm4b:s6+s2] =	stream.indirect_vreg.scatter [tilespmem:s26], [sflag:$0x1], $0x80, v3, vm0, $0xb8;
	[tilespmem:$0x10080] =	vst v63  }
0x93: {  	v3 =	vld [tilespmem:$0x10];
	_ =	sdelay $0x4  }
0x94: {  	v61 =	vshll.u32 v3, $0x3  }
0x95: {  	v3 =	vand.u32 $0x7, v3;
	v4 =	vand.u32 $0xFFFFFFC0, v61  }
0x96: {  	v3 =	vor.u32 v3, v4  }
0x97: {  	v4 =	vperm.xlane v3, v0;
	_ =	sdelay $0x1  }
0x98: {  	v4 =	vadd.s32 v1, v4;
	_ =	sdelay $0x4  }
0x99: {  	[hbm4b:s3+s2] =	stream.indirect_vreg.scatter [tilespmem:s28], [sflag:$0x1], $0x80, v4, vm0, $0xb8;
	[tilespmem:$0x10080] =	vst v63  }
0x9a: {  	v3 =	vperm.xlane v3, v2  }
0x9b: {  	[hbm4b:s4+s2] =	stream.indirect_vreg.scatter [tilespmem:s29], [sflag:$0x1], $0x80, v4, vm0, $0xb8;
	[tilespmem:$0x10080] =	vst v63  }
0x9c: {  	v3 =	vadd.s32 v1, v3  }
0x9d: {  	[hbm4b:s5+s2] =	stream.indirect_vreg.scatter [tilespmem:s30], [sflag:$0x1], $0x80, v4, vm0, $0xb8;
	[tilespmem:$0x10080] =	vst v63  }
0x9e: {  	_ = 	snop  }
0x9f: {  	[hbm4b:s6+s2] =	stream.indirect_vreg.scatter [tilespmem:s31], [sflag:$0x1], $0x80, v4, vm0, $0xb8;
	[tilespmem:$0x10080] =	vst v63  }
0xa0: {  	s19 =	simm.s32 $0x6080  }
0xa1: {  	[hbm4b:s3+s2] =	stream.indirect_vreg.scatter [tilespmem:s19], [sflag:$0x1], $0x80, v3, vm0, $0xb8;
	[tilespmem:$0x10080] =	vst v63  }
0xa2: {  	_ = 	snop  }
0xa3: {  	[hbm4b:s4+s2] =	stream.indirect_vreg.scatter [tilespmem:s1], [sflag:$0x1], $0x80, v3, vm0, $0xb8;
	[tilespmem:$0x10080] =	vst v63  }
0xa4: {  	_ = 	snop  }
0xa5: {  	[hbm4b:s5+s2] =	stream.indirect_vreg.scatter [tilespmem:s10], [sflag:$0x1], $0x80, v3, vm0, $0xb8;
	[tilespmem:$0x10080] =	vst v63  }
0xa6: {  	_ = 	snop  }
0xa7: {  	[hbm4b:s6+s2] =	stream.indirect_vreg.scatter [tilespmem:s11], [sflag:$0x1], $0x80, v3, vm0, $0xb8;
	[tilespmem:$0x10080] =	vst v63  }
0xa8: {  	v3 =	vld [tilespmem:$0x20];
	_ =	sdelay $0x4  }
0xa9: {  	v62 =	vshll.u32 v3, $0x3  }
0xaa: {  	v3 =	vand.u32 $0x7, v3;
	v4 =	vand.u32 $0xFFFFFFC0, v62  }
0xab: {  	v3 =	vor.u32 v3, v4  }
0xac: {  	v4 =	vperm.xlane v3, v0;
	_ =	sdelay $0x1  }
0xad: {  	v4 =	vadd.s32 v1, v4;
	_ =	sdelay $0x4  }
0xae: {  	[hbm4b:s3+s2] =	stream.indirect_vreg.scatter [tilespmem:s12], [sflag:$0x1], $0x80, v4, vm0, $0xb8;
	[tilespmem:$0x10080] =	vst v63  }
0xaf: {  	v3 =	vperm.xlane v3, v2  }
0xb0: {  	[hbm4b:s4+s2] =	stream.indirect_vreg.scatter [tilespmem:s13], [sflag:$0x1], $0x80, v4, vm0, $0xb8;
	[tilespmem:$0x10080] =	vst v63  }
0xb1: {  	v3 =	vadd.s32 v1, v3  }
0xb2: {  	[hbm4b:s5+s2] =	stream.indirect_vreg.scatter [tilespmem:s14], [sflag:$0x1], $0x80, v4, vm0, $0xb8;
	[tilespmem:$0x10080] =	vst v63  }
0xb3: {  	_ = 	snop  }
0xb4: {  	[hbm4b:s6+s2] =	stream.indirect_vreg.scatter [tilespmem:s15], [sflag:$0x1], $0x80, v4, vm0, $0xb8;
	[tilespmem:$0x10080] =	vst v63  }
0xb5: {  	_ = 	snop  }
0xb6: {  	[hbm4b:s3+s2] =	stream.indirect_vreg.scatter [tilespmem:s16], [sflag:$0x1], $0x80, v3, vm0, $0xb8;
	[tilespmem:$0x10080] =	vst v63  }
0xb7: {  	_ = 	snop  }
0xb8: {  	[hbm4b:s4+s2] =	stream.indirect_vreg.scatter [tilespmem:s17], [sflag:$0x1], $0x80, v3, vm0, $0xb8;
	[tilespmem:$0x10080] =	vst v63  }
0xb9: {  	_ = 	snop  }
0xba: {  	[hbm4b:s5+s2] =	stream.indirect_vreg.scatter [tilespmem:s9], [sflag:$0x1], $0x80, v3, vm0, $0xb8;
	[tilespmem:$0x10080] =	vst v63  }
0xbb: {  	s19 =	simm.s32 $0xB880  }
0xbc: {  	[hbm4b:s6+s2] =	stream.indirect_vreg.scatter [tilespmem:s19], [sflag:$0x1], $0x80, v3, vm0, $0xb8;
	[tilespmem:$0x10080] =	vst v63  }
0xbd: {  	v3 =	vld [tilespmem:$0x30];
	_ =	sdelay $0x4  }
0xbe: {  	v63 =	vshll.u32 v3, $0x3  }
0xbf: {  	v3 =	vand.u32 $0x7, v3;
	v4 =	vand.u32 $0xFFFFFFC0, v63  }
0xc0: {  	v3 =	vor.u32 v3, v4  }
0xc1: {  	v4 =	vperm.xlane v3, v0;
	_ =	sdelay $0x1  }
0xc2: {  	v4 =	vadd.s32 v1, v4;
	_ =	sdelay $0x3  }
0xc3: {  	s1 =	simm.s32 $0xC080  }
0xc4: {  	[hbm4b:s3+s2] =	stream.indirect_vreg.scatter [tilespmem:s1], [sflag:$0x1], $0x80, v4, vm0, $0xb8;
	[tilespmem:$0x10080] =	vst v63  }
0xc5: {  	s19 =	simm.s32 $0xC880;
	v3 =	vperm.xlane v3, v2  }
0xc6: {  	[hbm4b:s4+s2] =	stream.indirect_vreg.scatter [tilespmem:s19], [sflag:$0x1], $0x80, v4, vm0, $0xb8;
	[tilespmem:$0x10080] =	vst v63  }
0xc7: {  	v3 =	vadd.s32 v1, v3;
	s1 =	simm.s32 $0xD080  }
0xc8: {  	[hbm4b:s5+s2] =	stream.indirect_vreg.scatter [tilespmem:s1], [sflag:$0x1], $0x80, v4, vm0, $0xb8;
	[tilespmem:$0x10080] =	vst v63  }
0xc9: {  	s19 =	simm.s32 $0xD880  }
0xca: {  	[hbm4b:s6+s2] =	stream.indirect_vreg.scatter [tilespmem:s19], [sflag:$0x1], $0x80, v4, vm0, $0xb8;
	[tilespmem:$0x10080] =	vst v63  }
0xcb: {  	s1 =	simm.s32 $0xE080  }
0xcc: {  	[hbm4b:s3+s2] =	stream.indirect_vreg.scatter [tilespmem:s1], [sflag:$0x1], $0x80, v3, vm0, $0xb8;
	[tilespmem:$0x10080] =	vst v63  }
0xcd: {  	s19 =	simm.s32 $0xE880  }
0xce: {  	[hbm4b:s4+s2] =	stream.indirect_vreg.scatter [tilespmem:s19], [sflag:$0x1], $0x80, v3, vm0, $0xb8;
	[tilespmem:$0x10080] =	vst v63  }
0xcf: {  	p0 =	sne.s32 s7, $0x1;
	s1 =	simm.s32 $0xF080  }
0xd0: {  	[hbm4b:s5+s2] =	stream.indirect_vreg.scatter [tilespmem:s1], [sflag:$0x1], $0x80, v3, vm0, $0xb8;
	[tilespmem:$0x10080] =	vst v63  }
.Ltmp0:
0xd1: {  	s19 =	simm.s32 $0xF880;
	(pc) =	sbr.rel @p0 .LBB2_1-.Ltmp0, $4  }
0xd2: {  	[hbm4b:s6+s2] =	stream.indirect_vreg.scatter [tilespmem:s19], [sflag:$0x1], $0x80, v3, vm0, $0xb8;
	[tilespmem:$0x10080] =	vst v63  }
0xd3: {  	_ =	swait.ge [sflag:s18], $0x10000  }
0xd4: {  	[sflag:s18] =	ssyncset.done $0x0  }
0xd5: {  	s7 =	sadd.s32 $0xFFFFFFFF, s7;
	[sflag:s18] =	ssyncadd.s32 $0xFFFF0000  }
0xd6: {  	_ =	sfence.sel $0x180000  }
0xd7: {  	[bflag:$0x0] =	sbarrier.arrive $0xFFFF  }
0xd8: {  	_ =	strace $0x90000047  }
0xd9: {  	s0 =	stileid.u32;
	[bflag:$0x2] =	sbarrier.arrive $0xFFFF  }
0xda: {  	p0 =	sne.s32 s0, $0x0;
	s0 =	rddreg [dreg:$0x2]  }
0xdb: {  	s0 =	sadd.s32 @!p0 $0x100000, s0  }
0xdc: {  	[sflag:s0] =	ssyncadd.tile.s32 @!p0 $0x1;
	_ =	shalt  }
.Lfunc_end2:
_tile_overlayer_lowered:
.L_overlay_start_2:
0xdd: {  	(tag) =	ssettag $0x2  }
0xde: {  	s0 =	rddreg [dreg:$0x0];
	s2 =	stileid.u32  }
0xdf: {  	s1 =	rddreg [dreg:$0x1];
	p0 =	sne.s32 s2, $0x0  }
0xe0: {  	s3 =	rddreg [dreg:$0x2];
	[bflag:$0x3] =	sbarrier.arrive $0xFFFF;
	s2 =	simm.s32 @!p0 $0x1C02  }
0xe1: {  	[timem:s3], [sflag:s2] =	dma.local @!p0 [hbm:s0], s1  }
0xe2: {  	s0 =	simm.s32 @!p0 $0x2  }
0xe3: {  	_ =	swait.ge @!p0 [sflag:s0], s1  }
0xe4: {  	s1 =	ssub.s32 @!p0 $0x0, s1;
	[sflag:s0] =	ssyncset.done @!p0 $0x0  }
0xe5: {  	[sflag:s0] =	ssyncadd.s32 @!p0 s1  }
0xe6: {  	[bflag:$0x3] =	sbarrier.arrive $0xFFFF  }
0xe7: {  	_ =	shalt  }

// kernel: kernel.13.cloned.1.call-start
scs
__scs_entry_jumppad:
0x0: {  	(pc) =	sbr.rel $0x88, $3  }
0x1: {  	(tag) =	ssettag $0x0;
	lr =	simm.s32 $0x1  }
0x2: {  	[smem:$0x3F93] =	sst lr;
	_ =	strace $0xD0000000  }
0x3: {  	_ = 	snop  }
0x4: {  	_ = 	snop  }
0x5: {  	_ = 	snop  }
0x6: {  	_ = 	snop  }
0x7: {  	_ = 	snop  }
__scs_overlays_trampoline_lowered:
0x8: {  	[smem:$0x3FA2] =	sst s0  }
0x9: {  	[smem:$0x3FA3] =	sst s1  }
0xa: {  	[smem:$0x3FA4] =	sst s2  }
0xb: {  	[smem:$0x3FA5] =	sst s3  }
0xc: {  	[smem:$0x3FA6] =	sst s4  }
0xd: {  	[smem:$0x3FA7] =	sst s5  }
0xe: {  	[smem:$0x3FA8] =	sst s6  }
0xf: {  	[smem:$0x3FA9] =	sst s7  }
0x10: {  	[smem:$0x3FAA] =	sst s8  }
0x11: {  	[smem:$0x3FAB] =	sst s9;
	s0 =	simm.s32 @!p0 $0x0  }
0x12: {  	s1 =	sld [smem:$0x3F91];
	s0 =	simm.s32 @p0 $0x1  }
0x13: {  	[smem:$0x3FAC] =	sst s0;
	s0 =	simm.s32 @!p1 $0x0  }
0x14: {  	s2 =	sld [smem:$0x3F90];
	s0 =	simm.s32 @p1 $0x1  }
0x15: {  	[smem:$0x3FAD] =	sst s0;
	s0 =	simm.s32 @!p2 $0x0  }
0x16: {  	s3 =	sld [smem:$0x3FDB];
	s0 =	simm.s32 @p2 $0x1  }
0x17: {  	s4 =	simm.s32 $0x1BF5;
	[smem:$0x3FAF] =	sst s0  }
0x18: {  	s0 =	sld [smem:$0x3F92];
	_ =	swait.ge [sflag:s4], $0x0  }
0x19: {  	s7 =	sld [smem:$0x3F93]  }
0x1a: {  	s8 =	sadd.s32 $0xFFFFE003, lr  }
0x1b: {  	s9 =	sadd.s32 $0xFFFFFEF7, lr;
	s5 =	simm.s32 $0xFFFFFFFF;
	p2 =	slt.u32 s8, $0xFFFFF086  }
0x1c: {  	p1 =	slt.u32 s9, $0xF7A;
	s5 =	simm.s32 @!p2 $0x0  }
0x1d: {  	s5 =	simm.s32 @p1 $0x1;
	p0 =	seq.s32 s7, s2  }
0x1e: {  	s7 =	smul.u32 @!p0 $0xF7A, s2;
	p2 =	seq.s32 @!p0 s5, $0x0  }
0x1f: {  	s9 =	smul.u32 $0xF7A, s1;
	s8 =	simm.s32 @!p0 $0x1BF5;
	p2 =	por !p2, p0  }
0x20: {  	[sflag:s8] =	ssyncset.s32 @!p0 $0xFFFFF086;
	s6 =	sadd.s32 @!p0 s3, s7;
	s7 =	simm.s32 @!p0 $0x108  }
0x21: {  	s3 =	sadd.s32 s3, s9;
	s6 =	sadd.s32 @!p0 $0x88, s6;
	s7 =	simm.s32 @p2 $0x1082  }
0x22: {  	[simem:s7], [sflag:s8] =	dma.local @!p0 [hbm:s6], $0xF7A  }
0x23: {  	s9 =	sor.u32 $0xD0000000, s2;
	s6 =	simm.s32 $0x108;
	_ =	swait.ge @!p0 [sflag:s8], $0x0  }
0x24: {  	s3 =	sadd.s32 $0x88, s3;
	s6 =	simm.s32 @!p1 $0x1082;
	[sflag:s4] =	ssyncset.s32 $0xFFFFF086  }
0x25: {  	[simem:s6], [sflag:s4] =	dma.local [hbm:s3], $0xF7A  }
0x26: {  	[smem:$0x3F93] =	sst s1;
	(tag) =	ssettag s2;
	_ =	strace s9  }
0x27: {  	s1 =	sld [smem:$0x3FA3]  }
0x28: {  	s2 =	sld [smem:$0x3FA4]  }
0x29: {  	s4 =	sld [smem:$0x3FA6]  }
0x2a: {  	p0 =	seq.s32 s5, $0x0;
	s5 =	sld [smem:$0x3FA7]  }
0x2b: {  	s6 =	sld [smem:$0x3FA8]  }
0x2c: {  	s7 =	sld [smem:$0x3FA9]  }
0x2d: {  	s3 =	simm.s32 $0x108;
	s8 =	sld [smem:$0x3FAA]  }
0x2e: {  	s3 =	simm.s32 @!p0 $0x1082;
	s9 =	sld [smem:$0x3FAB]  }
0x2f: {  	lr =	sadd.s32 s0, s3;
	s0 =	sld [smem:$0x3FA2]  }
0x30: {  	s3 =	sld [smem:$0x3FA5]  }
0x31: {  	[smem:$0x3FAE] =	sst s10  }
0x32: {  	s10 =	sld [smem:$0x3FAC];
	_ =	sdelay $0x3  }
0x33: {  	p0 =	seq.s32 s10, $0x1;
	s10 =	sld [smem:$0x3FAE];
	_ =	sdelay $0x3  }
0x34: {  	[smem:$0x3FAE] =	sst s10  }
0x35: {  	s10 =	sld [smem:$0x3FAD];
	_ =	sdelay $0x3  }
0x36: {  	p1 =	seq.s32 s10, $0x1;
	s10 =	sld [smem:$0x3FAE];
	_ =	sdelay $0x3  }
0x37: {  	[smem:$0x3FAE] =	sst s10  }
0x38: {  	s10 =	sld [smem:$0x3FAF]  }
0x39: {  	_ = 	snop;
	(pc) =	sbr.ind lr, $3  }
0x3a: {  	_ = 	snop  }
0x3b: {  	_ = 	snop  }
0x3c: {  	p2 =	seq.s32 s10, $0x1;
	s10 =	sld [smem:$0x3FAE]  }
0x3d: {  	_ =	shalt  }
0x3e: {  	_ =	shalt  }
0x3f: {  	_ =	shalt  }
0x40: {  	_ =	shalt  }
0x41: {  	_ =	shalt  }
0x42: {  	_ =	shalt  }
0x43: {  	_ =	shalt  }
0x44: {  	_ =	shalt  }
0x45: {  	_ =	shalt  }
0x46: {  	_ =	shalt  }
0x47: {  	_ =	shalt  }
0x48: {  	_ =	shalt  }
0x49: {  	_ =	shalt  }
0x4a: {  	_ =	shalt  }
0x4b: {  	_ =	shalt  }
0x4c: {  	_ =	shalt  }
0x4d: {  	_ =	shalt  }
0x4e: {  	_ =	shalt  }
0x4f: {  	_ =	shalt  }
0x50: {  	_ =	shalt  }
0x51: {  	_ =	shalt  }
0x52: {  	_ =	shalt  }
0x53: {  	_ =	shalt  }
0x54: {  	_ =	shalt  }
0x55: {  	_ =	shalt  }
0x56: {  	_ =	shalt  }
0x57: {  	_ =	shalt  }
0x58: {  	_ =	shalt  }
0x59: {  	_ =	shalt  }
0x5a: {  	_ =	shalt  }
0x5b: {  	_ =	shalt  }
0x5c: {  	_ =	shalt  }
0x5d: {  	_ =	shalt  }
0x5e: {  	_ =	shalt  }
0x5f: {  	_ =	shalt  }
0x60: {  	_ =	shalt  }
0x61: {  	_ =	shalt  }
0x62: {  	_ =	shalt  }
0x63: {  	_ =	shalt  }
0x64: {  	_ =	shalt  }
0x65: {  	_ =	shalt  }
0x66: {  	_ =	shalt  }
0x67: {  	_ =	shalt  }
0x68: {  	_ =	shalt  }
0x69: {  	_ =	shalt  }
0x6a: {  	_ =	shalt  }
0x6b: {  	_ =	shalt  }
0x6c: {  	_ =	shalt  }
0x6d: {  	_ =	shalt  }
0x6e: {  	_ =	shalt  }
0x6f: {  	_ =	shalt  }
0x70: {  	_ =	shalt  }
0x71: {  	_ =	shalt  }
0x72: {  	_ =	shalt  }
0x73: {  	_ =	shalt  }
0x74: {  	_ =	shalt  }
0x75: {  	_ =	shalt  }
0x76: {  	_ =	shalt  }
0x77: {  	_ =	shalt  }
0x78: {  	_ =	shalt  }
0x79: {  	_ =	shalt  }
0x7a: {  	_ =	shalt  }
0x7b: {  	_ =	shalt  }
0x7c: {  	_ =	shalt  }
0x7d: {  	_ =	shalt  }
0x7e: {  	_ =	shalt  }
0x7f: {  	_ =	shalt  }
0x80: {  	_ =	shalt  }
0x81: {  	_ =	shalt  }
0x82: {  	_ =	shalt  }
0x83: {  	_ =	shalt  }
0x84: {  	_ =	shalt  }
0x85: {  	_ =	shalt  }
0x86: {  	_ =	shalt  }
0x87: {  	_ =	shalt  }
.Lfunc_end0:
.L_simem_size_0:
called_computation.1_lowered:
.L_overlay_start_0:
0x88: {  	s2 =	sld [smem:$0x3FD9]  }
0x89: {  	s3 =	sld [smem:$0x3FFE];
	_ =	sdelay $0x1  }
0x8a: {  	s1 =	srdreg.scid  }
0x8b: {  	s0 =	sand.u32 $0x1, s1  }
0x8c: {  	s16 =	sshll.u32 s0, $0xA;
	s2 =	sadd.s32 s3, s2  }
0x8d: {  	s2 =	sadd.s32 s2, s16  }
0x8e: {  	[smem:$0x3FBA] =	sst s2  }
0x8f: {  	_ = 	snop  }
0x90: {  	(tm) =	ssettm $0x1  }
0x91: {  	s17 =	sld [smem:$0x3FFB];
	_ =	sdelay $0x3  }
0x92: {  	_ =	strace s17  }
0x93: {  	s2 =	sld [smem:$0x3FFC];
	_ =	sdelay $0x3  }
0x94: {  	_ =	strace s2  }
0x95: {  	s2 =	sld [smem:$0x3FFD];
	_ =	sdelay $0x3  }
0x96: {  	_ =	strace s2  }
0x97: {  	_ =	strace $0x8FFFFFFF  }
0x98: {  	s18 =	sld [smem:$0x3FDB];
	_ =	sdelay $0x1  }
0x99: {  	s19 =	simm.s32 $_scs_section_size  }
0x9a: {  	s4 =	simm.s32 $_size__tile_overlayer_lowered;
	s5 =	simm.s32 $_tile_overlayer_lowered  }
0x9b: {  	s22 =	simm.s32 $0x1BFF;
	s21 =	sshll.u32 s5, $0x1;
	s2 =	sadd.s32 s19, s18  }
0x9c: {  	s6 =	simm.s32 $0x0;
	s20 =	sshll.u32 s4, $0x1;
	s4 =	sadd.s32 s21, s2  }
0x9d: {  	[timem:s6], [sflag:s22] =	dma.local [hbm:s4], s20  }
0x9e: {  	_ =	swait.ge [sflag:s22], s20  }
0x9f: {  	s3 =	ssub.s32 $0x0, s20;
	[sflag:s22] =	ssyncset.done $0x0  }
0xa0: {  	[sflag:s22] =	ssyncadd.s32 s3;
	_ =	sdelay $0x1  }
0xa1: {  	s23 =	simm.s32 $0x1B8B  }
0xa2: {  	_ =	swait.ge [sflag:s23], $0x1  }
0xa3: {  	[sflag:s23] =	ssyncset.done $0x0  }
0xa4: {  	s25 =	simm.s32 $0x1B8E;
	s24 =	sld [smem:$0x3FFE];
	[sflag:s23] =	ssyncadd.s32 $0xFFFFFFFF  }
0xa5: {  	s26 =	simm.s32 $execute0_lowered;
	[smem:$0x3FD2] =	sst s25  }
0xa6: {  	s4 =	sshll.u32 s26, $0x1;
	_ =	strace $0x80000049;
	[dreg:$0x1] =	wrdreg $0xFFFFFFFF  }
0xa7: {  	s28 =	simm.s32 $_size_execute0_lowered;
	s2 =	sadd.s32 s2, s4;
	[dreg:$0x0] =	wrdreg $0x0  }
0xa8: {  	s4 =	sshll.u32 s28, $0x1;
	[dreg:$0x2] =	wrdreg s2  }
0xa9: {  	[dreg:$0x3] =	wrdreg s4  }
0xaa: {  	[dreg:$0x4] =	wrdreg $0xC0  }
0xab: {  	_ =	task [dreg:s6], $0x5FFFF  }
0xac: {  	[dreg:$0x1] =	wrdreg $0xFFFFFFFF  }
0xad: {  	[dreg:$0x0] =	wrdreg $0x60  }
0xae: {  	[dreg:$0x2] =	wrdreg s24  }
0xaf: {  	[dreg:$0x3] =	wrdreg $0x9  }
0xb0: {  	_ =	task.clear_ibuf [dreg:s6], $0x4FFFF;
	_ =	strace $0x90000049  }
0xb1: {  	s29 =	simm.s32 $0x9;
	_ =	strace $0x8000004B  }
0xb2: {  	_ =	swait.ge [sflag:s29], $0x1  }
0xb3: {  	[sflag:s29] =	ssyncadd.s32 $0xFFFFFFFF  }
0xb4: {  	_ =	strace $0x9000004B  }
0xb5: {  	_ =	sfence  }
0xb6: {  	s30 =	sld [smem:$0x0];
	_ =	sdelay $0x2  }
0xb7: {  	s31 =	sshll.u32 s1, $0xD;
	s1 =	sshrl.u32 s1, $0x2  }
0xb8: {  	s3 =	sand.u32 $0x4000, s31;
	s1 =	sadd.s32 s1, s30  }
0xb9: {  	s0 =	sor.u32 s3, s0;
	s1 =	sshll.u32 s1, $0x11  }
0xba: {  	s0 =	sor.u32 s1, s0  }
0xbb: {  	s0 =	sadd.s32 $0x8F2B, s0  }
0xbc: {  	[sflag:s0] =	ssyncadd.remote.s32 $0x1  }
0xbd: {  	_ =	sfence.sel $0xFFFF  }
0xbe: {  	[dreg:$0x0] =	wrdreg $0xFFFFFFFF;
	(pc) =	sbr.abs _section_cstart, $3  }
0xbf: {  	[dreg:$0x1] =	wrdreg $0xFFFFFFFF  }
0xc0: {  	_ =	task.clear_ibuf [dreg:s6], $0x2FFFF;
	_ =	strace $0x9FFFFFFF  }
0xc1: {  	(tm) =	ssettm $0x7FFFFFFF  }
tec
execute0_lowered:
.L_overlay_start_1:
0x0: {  	(tag) =	ssettag $0x1  }
0x1: {  	s0 =	rddreg [dreg:$0x0];
	s1 =	srdreg.scid  }
0x2: {  	s2 =	simm.s32 $0x0;
	s3 =	stileid.u32;
	s18 =	simm.s32 $0x1  }
0x3: {  	s20 =	simm.s32 $0x880;
	s21 =	simm.s32 $0x1080;
	s22 =	simm.s32 $0x1880  }
0x4: {  	s23 =	simm.s32 $0x2080;
	s28 =	simm.s32 $0x4080;
	s29 =	simm.s32 $0x4880  }
0x5: {  	s30 =	simm.s32 $0x5080;
	s31 =	simm.s32 $0x5880;
	s11 =	simm.s32 $0x7880  }
0x6: {  	s12 =	simm.s32 $0x8080;
	s13 =	simm.s32 $0x8880;
	s14 =	simm.s32 $0x9080  }
0x7: {  	s15 =	simm.s32 $0x9880;
	s16 =	simm.s32 $0xA080;
	s17 =	simm.s32 $0xA880  }
0x8: {  	s1 =	sand.u32 $0x1, s1;
	[smem:$0x7FF] =	sst s2;
	s3 =	sshll.u32 s3, $0x8  }
0x9: {  	s6 =	sadd.s32 $0x52200, s0;
	s8 =	sadd.s32 $0x52400, s0;
	s4 =	sshll.u32 s1, $0x7  }
0xa: {  	_ =	strace $0x8000004A;
	s1 =	ssub.s32 $0x2, s1;
	s5 =	sor.u32 s4, s3  }
0xb: {  	s3 =	sadd.s32 $0x152400, s0;
	s7 =	sshrl.u32 s1, $0x1;
	s4 =	sshrl.u32 s5, $0x3  }
0xc: {  	s1 =	ssub.s32 s1, s7;
	s24 =	sshll.u32 s5, $0x7;
	s9 =	sor.u32 $0x40, s5  }
0xd: {  	s5 =	sadd.s32 $0x152600, s0;
	s4 =	sadd.s32 s6, s4;
	s7 =	sadd.s32 s8, s24  }
0xe: {  	s10 =	sshrl.u32 s9, $0x3;
	s9 =	sshll.u32 s9, $0x7;
	[dreg:$0x2] =	wrdreg s4  }
0xf: {  	s24 =	simm.s32 $0x2880;
	s4 =	sadd.s32 $0x152500, s0;
	[dreg:$0x3] =	wrdreg s7  }
0x10: {  	s25 =	sadd.s32 s6, s10;
	s6 =	sadd.s32 $0x152700, s0;
	s26 =	sadd.s32 s8, s9  }
0x11: {  	v2 =	vlaneseq.u32;
	s7 =	smax.u32 s1, $0x1;
	s8 =	simm.s32 $0x2;
	s0 =	simm.s32 $0x80  }
0x12: {  	vm0 =	vmmov $0xffff;
	v1 =	vshrl.u32 v2, $0x3;
	s10 =	simm.s32 $0x7080;
	s9 =	simm.s32 $0xB080;
	[dreg:$0x4] =	wrdreg s25  }
0x13: {  	v0 =	vand.u32 $0x7, v2;
	v2 =	vor.u32 $0x8, v2;
	v1 =	vmul.u32 $0x8, v1;
	[dreg:$0x5] =	wrdreg s26;
	s25 =	simm.s32 $0x3080;
	s26 =	simm.s32 $0x3880  }
.LBB2_1:
0x14: {  	s19 =	rddreg [dreg:$0x2]  }
0x15: {  	[tilespmem:s2], [sflag:$0x2] =	stream.linear.gather [hbm4b:s19+s2], $0x40, $0x38;
	[tilespmem:$0x10080] =	vst v63  }
0x16: {  	_ =	swait.ge [sflag:s8], $0x40  }
0x17: {  	[sflag:s8] =	ssyncset.done $0x0  }
0x18: {  	[sflag:s8] =	ssyncadd.s32 $0xFFFFFFC0  }
0x19: {  	v3 =	vld [tilespmem:$0x0];
	_ =	sdelay $0x4  }
0x1a: {  	v4 =	vshll.u32 v3, $0x3  }
0x1b: {  	v3 =	vand.u32 $0x7, v3;
	v4 =	vand.u32 $0xFFFFFFC0, v4  }
0x1c: {  	v3 =	vor.u32 v3, v4  }
0x1d: {  	v4 =	vperm.xlane v3, v0;
	_ =	sdelay $0x1  }
0x1e: {  	v4 =	vadd.s32 v1, v4;
	_ =	sdelay $0x4  }
0x1f: {  	[tilespmem:s0], [sflag:$0x1] =	stream.indirect_vreg.gather [hbm4b:s3+s2], $0x80, v4, vm0, $0xb8;
	[tilespmem:$0x10080] =	vst v63  }
0x20: {  	v3 =	vperm.xlane v3, v2  }
0x21: {  	[tilespmem:s20], [sflag:$0x1] =	stream.indirect_vreg.gather [hbm4b:s4+s2], $0x80, v4, vm0, $0xb8;
	[tilespmem:$0x10080] =	vst v63  }
0x22: {  	v3 =	vadd.s32 v1, v3  }
0x23: {  	[tilespmem:s21], [sflag:$0x1] =	stream.indirect_vreg.gather [hbm4b:s5+s2], $0x80, v4, vm0, $0xb8;
	[tilespmem:$0x10080] =	vst v63  }
0x24: {  	_ = 	snop  }
0x25: {  	[tilespmem:s22], [sflag:$0x1] =	stream.indirect_vreg.gather [hbm4b:s6+s2], $0x80, v4, vm0, $0xb8;
	[tilespmem:$0x10080] =	vst v63  }
0x26: {  	_ = 	snop  }
0x27: {  	[tilespmem:s23], [sflag:$0x1] =	stream.indirect_vreg.gather [hbm4b:s3+s2], $0x80, v3, vm0, $0xb8;
	[tilespmem:$0x10080] =	vst v63  }
0x28: {  	_ = 	snop  }
0x29: {  	[tilespmem:s24], [sflag:$0x1] =	stream.indirect_vreg.gather [hbm4b:s4+s2], $0x80, v3, vm0, $0xb8;
	[tilespmem:$0x10080] =	vst v63  }
0x2a: {  	_ = 	snop  }
0x2b: {  	[tilespmem:s25], [sflag:$0x1] =	stream.indirect_vreg.gather [hbm4b:s5+s2], $0x80, v3, vm0, $0xb8;
	[tilespmem:$0x10080] =	vst v63  }
0x2c: {  	_ = 	snop  }
0x2d: {  	[tilespmem:s26], [sflag:$0x1] =	stream.indirect_vreg.gather [hbm4b:s6+s2], $0x80, v3, vm0, $0xb8;
	[tilespmem:$0x10080] =	vst v63  }
0x2e: {  	v3 =	vld [tilespmem:$0x10];
	_ =	sdelay $0x4  }
0x2f: {  	v57 =	vshll.u32 v3, $0x3  }
0x30: {  	v3 =	vand.u32 $0x7, v3;
	v4 =	vand.u32 $0xFFFFFFC0, v57  }
0x31: {  	v3 =	vor.u32 v3, v4  }
0x32: {  	v4 =	vperm.xlane v3, v0;
	_ =	sdelay $0x1  }
0x33: {  	v4 =	vadd.s32 v1, v4;
	_ =	sdelay $0x4  }
0x34: {  	[tilespmem:s28], [sflag:$0x1] =	stream.indirect_vreg.gather [hbm4b:s3+s2], $0x80, v4, vm0, $0xb8;
	[tilespmem:$0x10080] =	vst v63  }
0x35: {  	v3 =	vperm.xlane v3, v2  }
0x36: {  	[tilespmem:s29], [sflag:$0x1] =	stream.indirect_vreg.gather [hbm4b:s4+s2], $0x80, v4, vm0, $0xb8;
	[tilespmem:$0x10080] =	vst v63  }
0x37: {  	v3 =	vadd.s32 v1, v3  }
0x38: {  	[tilespmem:s30], [sflag:$0x1] =	stream.indirect_vreg.gather [hbm4b:s5+s2], $0x80, v4, vm0, $0xb8;
	[tilespmem:$0x10080] =	vst v63  }
0x39: {  	_ = 	snop  }
0x3a: {  	[tilespmem:s31], [sflag:$0x1] =	stream.indirect_vreg.gather [hbm4b:s6+s2], $0x80, v4, vm0, $0xb8;
	[tilespmem:$0x10080] =	vst v63  }
0x3b: {  	s1 =	simm.s32 $0x6080  }
0x3c: {  	[tilespmem:s1], [sflag:$0x1] =	stream.indirect_vreg.gather [hbm4b:s3+s2], $0x80, v3, vm0, $0xb8;
	[tilespmem:$0x10080] =	vst v63  }
0x3d: {  	s1 =	simm.s32 $0x6880  }
0x3e: {  	[tilespmem:s1], [sflag:$0x1] =	stream.indirect_vreg.gather [hbm4b:s4+s2], $0x80, v3, vm0, $0xb8;
	[tilespmem:$0x10080] =	vst v63  }
0x3f: {  	_ = 	snop  }
0x40: {  	[tilespmem:s10], [sflag:$0x1] =	stream.indirect_vreg.gather [hbm4b:s5+s2], $0x80, v3, vm0, $0xb8;
	[tilespmem:$0x10080] =	vst v63  }
0x41: {  	_ = 	snop  }
0x42: {  	[tilespmem:s11], [sflag:$0x1] =	stream.indirect_vreg.gather [hbm4b:s6+s2], $0x80, v3, vm0, $0xb8;
	[tilespmem:$0x10080] =	vst v63  }
0x43: {  	v3 =	vld [tilespmem:$0x20];
	_ =	sdelay $0x4  }
0x44: {  	v58 =	vshll.u32 v3, $0x3  }
0x45: {  	v3 =	vand.u32 $0x7, v3;
	v4 =	vand.u32 $0xFFFFFFC0, v58  }
0x46: {  	v3 =	vor.u32 v3, v4  }
0x47: {  	v4 =	vperm.xlane v3, v0;
	_ =	sdelay $0x1  }
0x48: {  	v4 =	vadd.s32 v1, v4;
	_ =	sdelay $0x4  }
0x49: {  	[tilespmem:s12], [sflag:$0x1] =	stream.indirect_vreg.gather [hbm4b:s3+s2], $0x80, v4, vm0, $0xb8;
	[tilespmem:$0x10080] =	vst v63  }
0x4a: {  	v3 =	vperm.xlane v3, v2  }
0x4b: {  	[tilespmem:s13], [sflag:$0x1] =	stream.indirect_vreg.gather [hbm4b:s4+s2], $0x80, v4, vm0, $0xb8;
	[tilespmem:$0x10080] =	vst v63  }
0x4c: {  	v3 =	vadd.s32 v1, v3  }
0x4d: {  	[tilespmem:s14], [sflag:$0x1] =	stream.indirect_vreg.gather [hbm4b:s5+s2], $0x80, v4, vm0, $0xb8;
	[tilespmem:$0x10080] =	vst v63  }
0x4e: {  	_ = 	snop  }
0x4f: {  	[tilespmem:s15], [sflag:$0x1] =	stream.indirect_vreg.gather [hbm4b:s6+s2], $0x80, v4, vm0, $0xb8;
	[tilespmem:$0x10080] =	vst v63  }
0x50: {  	_ = 	snop  }
0x51: {  	[tilespmem:s16], [sflag:$0x1] =	stream.indirect_vreg.gather [hbm4b:s3+s2], $0x80, v3, vm0, $0xb8;
	[tilespmem:$0x10080] =	vst v63  }
0x52: {  	_ = 	snop  }
0x53: {  	[tilespmem:s17], [sflag:$0x1] =	stream.indirect_vreg.gather [hbm4b:s4+s2], $0x80, v3, vm0, $0xb8;
	[tilespmem:$0x10080] =	vst v63  }
0x54: {  	_ = 	snop  }
0x55: {  	[tilespmem:s9], [sflag:$0x1] =	stream.indirect_vreg.gather [hbm4b:s5+s2], $0x80, v3, vm0, $0xb8;
	[tilespmem:$0x10080] =	vst v63  }
0x56: {  	s19 =	simm.s32 $0xB880  }
0x57: {  	[tilespmem:s19], [sflag:$0x1] =	stream.indirect_vreg.gather [hbm4b:s6+s2], $0x80, v3, vm0, $0xb8;
	[tilespmem:$0x10080] =	vst v63  }
0x58: {  	v3 =	vld [tilespmem:$0x30];
	_ =	sdelay $0x4  }
0x59: {  	v59 =	vshll.u32 v3, $0x3  }
0x5a: {  	v3 =	vand.u32 $0x7, v3;
	v4 =	vand.u32 $0xFFFFFFC0, v59  }
0x5b: {  	v3 =	vor.u32 v3, v4  }
0x5c: {  	v4 =	vperm.xlane v3, v0;
	_ =	sdelay $0x1  }
0x5d: {  	v4 =	vadd.s32 v1, v4;
	_ =	sdelay $0x3  }
0x5e: {  	s19 =	simm.s32 $0xC080  }
0x5f: {  	[tilespmem:s19], [sflag:$0x1] =	stream.indirect_vreg.gather [hbm4b:s3+s2], $0x80, v4, vm0, $0xb8;
	[tilespmem:$0x10080] =	vst v63  }
0x60: {  	v3 =	vperm.xlane v3, v2;
	s19 =	simm.s32 $0xC880  }
0x61: {  	[tilespmem:s19], [sflag:$0x1] =	stream.indirect_vreg.gather [hbm4b:s4+s2], $0x80, v4, vm0, $0xb8;
	[tilespmem:$0x10080] =	vst v63  }
0x62: {  	v3 =	vadd.s32 v1, v3;
	s19 =	simm.s32 $0xD080  }
0x63: {  	[tilespmem:s19], [sflag:$0x1] =	stream.indirect_vreg.gather [hbm4b:s5+s2], $0x80, v4, vm0, $0xb8;
	[tilespmem:$0x10080] =	vst v63  }
0x64: {  	s19 =	simm.s32 $0xD880  }
0x65: {  	[tilespmem:s19], [sflag:$0x1] =	stream.indirect_vreg.gather [hbm4b:s6+s2], $0x80, v4, vm0, $0xb8;
	[tilespmem:$0x10080] =	vst v63  }
0x66: {  	s19 =	simm.s32 $0xE080  }
0x67: {  	[tilespmem:s19], [sflag:$0x1] =	stream.indirect_vreg.gather [hbm4b:s3+s2], $0x80, v3, vm0, $0xb8;
	[tilespmem:$0x10080] =	vst v63  }
0x68: {  	s19 =	simm.s32 $0xE880  }
0x69: {  	[tilespmem:s19], [sflag:$0x1] =	stream.indirect_vreg.gather [hbm4b:s4+s2], $0x80, v3, vm0, $0xb8;
	[tilespmem:$0x10080] =	vst v63  }
0x6a: {  	s19 =	simm.s32 $0xF080  }
0x6b: {  	[tilespmem:s19], [sflag:$0x1] =	stream.indirect_vreg.gather [hbm4b:s5+s2], $0x80, v3, vm0, $0xb8;
	[tilespmem:$0x10080] =	vst v63  }
0x6c: {  	s19 =	simm.s32 $0xF880  }
0x6d: {  	[tilespmem:s19], [sflag:$0x1] =	stream.indirect_vreg.gather [hbm4b:s6+s2], $0x80, v3, vm0, $0xb8;
	[tilespmem:$0x10080] =	vst v63  }
0x6e: {  	_ =	swait.ge [sflag:s18], $0x10000  }
0x6f: {  	[sflag:s18] =	ssyncset.done $0x0  }
0x70: {  	s19 =	rddreg [dreg:$0x3];
	[sflag:s18] =	ssyncadd.s32 $0xFFFF0000  }
0x71: {  	[hbm4b:s19+s2] =	stream.linear.scatter [tilespmem:s0], [sflag:$0x2], $0x10000, $0x38;
	[tilespmem:$0x10080] =	vst v63  }
0x72: {  	_ =	swait.ge [sflag:s8], $0x10000  }
0x73: {  	[sflag:s8] =	ssyncset.done $0x0  }
0x74: {  	s19 =	rddreg [dreg:$0x4];
	[sflag:s8] =	ssyncadd.s32 $0xFFFF0000  }
0x75: {  	[tilespmem:s2], [sflag:$0x2] =	stream.linear.gather [hbm4b:s19+s2], $0x40, $0x38;
	[tilespmem:$0x10080] =	vst v63  }
0x76: {  	_ =	swait.ge [sflag:s8], $0x40  }
0x77: {  	[sflag:s8] =	ssyncset.done $0x0  }
0x78: {  	[sflag:s8] =	ssyncadd.s32 $0xFFFFFFC0  }
0x79: {  	v3 =	vld [tilespmem:$0x0];
	_ =	sdelay $0x4  }
0x7a: {  	v60 =	vshll.u32 v3, $0x3  }
0x7b: {  	v3 =	vand.u32 $0x7, v3;
	v4 =	vand.u32 $0xFFFFFFC0, v60  }
0x7c: {  	v3 =	vor.u32 v3, v4  }
0x7d: {  	v4 =	vperm.xlane v3, v0;
	_ =	sdelay $0x1  }
0x7e: {  	v4 =	vadd.s32 v1, v4;
	_ =	sdelay $0x4  }
0x7f: {  	[tilespmem:s0], [sflag:$0x1] =	stream.indirect_vreg.gather [hbm4b:s3+s2], $0x80, v4, vm0, $0xb8;
	[tilespmem:$0x10080] =	vst v63  }
0x80: {  	v3 =	vperm.xlane v3, v2  }
0x81: {  	[tilespmem:s20], [sflag:$0x1] =	stream.indirect_vreg.gather [hbm4b:s4+s2], $0x80, v4, vm0, $0xb8;
	[tilespmem:$0x10080] =	vst v63  }
0x82: {  	v3 =	vadd.s32 v1, v3  }
0x83: {  	[tilespmem:s21], [sflag:$0x1] =	stream.indirect_vreg.gather [hbm4b:s5+s2], $0x80, v4, vm0, $0xb8;
	[tilespmem:$0x10080] =	vst v63  }
0x84: {  	_ = 	snop  }
0x85: {  	[tilespmem:s22], [sflag:$0x1] =	stream.indirect_vreg.gather [hbm4b:s6+s2], $0x80, v4, vm0, $0xb8;
	[tilespmem:$0x10080] =	vst v63  }
0x86: {  	_ = 	snop  }
0x87: {  	[tilespmem:s23], [sflag:$0x1] =	stream.indirect_vreg.gather [hbm4b:s3+s2], $0x80, v3, vm0, $0xb8;
	[tilespmem:$0x10080] =	vst v63  }
0x88: {  	_ = 	snop  }
0x89: {  	[tilespmem:s24], [sflag:$0x1] =	stream.indirect_vreg.gather [hbm4b:s4+s2], $0x80, v3, vm0, $0xb8;
	[tilespmem:$0x10080] =	vst v63  }
0x8a: {  	_ = 	snop  }
0x8b: {  	[tilespmem:s25], [sflag:$0x1] =	stream.indirect_vreg.gather [hbm4b:s5+s2], $0x80, v3, vm0, $0xb8;
	[tilespmem:$0x10080] =	vst v63  }
0x8c: {  	_ = 	snop  }
0x8d: {  	[tilespmem:s26], [sflag:$0x1] =	stream.indirect_vreg.gather [hbm4b:s6+s2], $0x80, v3, vm0, $0xb8;
	[tilespmem:$0x10080] =	vst v63  }
0x8e: {  	v3 =	vld [tilespmem:$0x10];
	_ =	sdelay $0x4  }
0x8f: {  	v61 =	vshll.u32 v3, $0x3  }
0x90: {  	v3 =	vand.u32 $0x7, v3;
	v4 =	vand.u32 $0xFFFFFFC0, v61  }
0x91: {  	v3 =	vor.u32 v3, v4  }
0x92: {  	v4 =	vperm.xlane v3, v0;
	_ =	sdelay $0x1  }
0x93: {  	v4 =	vadd.s32 v1, v4;
	_ =	sdelay $0x4  }
0x94: {  	[tilespmem:s28], [sflag:$0x1] =	stream.indirect_vreg.gather [hbm4b:s3+s2], $0x80, v4, vm0, $0xb8;
	[tilespmem:$0x10080] =	vst v63  }
0x95: {  	v3 =	vperm.xlane v3, v2  }
0x96: {  	[tilespmem:s29], [sflag:$0x1] =	stream.indirect_vreg.gather [hbm4b:s4+s2], $0x80, v4, vm0, $0xb8;
	[tilespmem:$0x10080] =	vst v63  }
0x97: {  	v3 =	vadd.s32 v1, v3  }
0x98: {  	[tilespmem:s30], [sflag:$0x1] =	stream.indirect_vreg.gather [hbm4b:s5+s2], $0x80, v4, vm0, $0xb8;
	[tilespmem:$0x10080] =	vst v63  }
0x99: {  	_ = 	snop  }
0x9a: {  	[tilespmem:s31], [sflag:$0x1] =	stream.indirect_vreg.gather [hbm4b:s6+s2], $0x80, v4, vm0, $0xb8;
	[tilespmem:$0x10080] =	vst v63  }
0x9b: {  	s19 =	simm.s32 $0x6080  }
0x9c: {  	[tilespmem:s19], [sflag:$0x1] =	stream.indirect_vreg.gather [hbm4b:s3+s2], $0x80, v3, vm0, $0xb8;
	[tilespmem:$0x10080] =	vst v63  }
0x9d: {  	_ = 	snop  }
0x9e: {  	[tilespmem:s1], [sflag:$0x1] =	stream.indirect_vreg.gather [hbm4b:s4+s2], $0x80, v3, vm0, $0xb8;
	[tilespmem:$0x10080] =	vst v63  }
0x9f: {  	_ = 	snop  }
0xa0: {  	[tilespmem:s10], [sflag:$0x1] =	stream.indirect_vreg.gather [hbm4b:s5+s2], $0x80, v3, vm0, $0xb8;
	[tilespmem:$0x10080] =	vst v63  }
0xa1: {  	_ = 	snop  }
0xa2: {  	[tilespmem:s11], [sflag:$0x1] =	stream.indirect_vreg.gather [hbm4b:s6+s2], $0x80, v3, vm0, $0xb8;
	[tilespmem:$0x10080] =	vst v63  }
0xa3: {  	v3 =	vld [tilespmem:$0x20];
	_ =	sdelay $0x4  }
0xa4: {  	v62 =	vshll.u32 v3, $0x3  }
0xa5: {  	v3 =	vand.u32 $0x7, v3;
	v4 =	vand.u32 $0xFFFFFFC0, v62  }
0xa6: {  	v3 =	vor.u32 v3, v4  }
0xa7: {  	v4 =	vperm.xlane v3, v0;
	_ =	sdelay $0x1  }
0xa8: {  	v4 =	vadd.s32 v1, v4;
	_ =	sdelay $0x4  }
0xa9: {  	[tilespmem:s12], [sflag:$0x1] =	stream.indirect_vreg.gather [hbm4b:s3+s2], $0x80, v4, vm0, $0xb8;
	[tilespmem:$0x10080] =	vst v63  }
0xaa: {  	v3 =	vperm.xlane v3, v2  }
0xab: {  	[tilespmem:s13], [sflag:$0x1] =	stream.indirect_vreg.gather [hbm4b:s4+s2], $0x80, v4, vm0, $0xb8;
	[tilespmem:$0x10080] =	vst v63  }
0xac: {  	v3 =	vadd.s32 v1, v3  }
0xad: {  	[tilespmem:s14], [sflag:$0x1] =	stream.indirect_vreg.gather [hbm4b:s5+s2], $0x80, v4, vm0, $0xb8;
	[tilespmem:$0x10080] =	vst v63  }
0xae: {  	_ = 	snop  }
0xaf: {  	[tilespmem:s15], [sflag:$0x1] =	stream.indirect_vreg.gather [hbm4b:s6+s2], $0x80, v4, vm0, $0xb8;
	[tilespmem:$0x10080] =	vst v63  }
0xb0: {  	_ = 	snop  }
0xb1: {  	[tilespmem:s16], [sflag:$0x1] =	stream.indirect_vreg.gather [hbm4b:s3+s2], $0x80, v3, vm0, $0xb8;
	[tilespmem:$0x10080] =	vst v63  }
0xb2: {  	_ = 	snop  }
0xb3: {  	[tilespmem:s17], [sflag:$0x1] =	stream.indirect_vreg.gather [hbm4b:s4+s2], $0x80, v3, vm0, $0xb8;
	[tilespmem:$0x10080] =	vst v63  }
0xb4: {  	_ = 	snop  }
0xb5: {  	[tilespmem:s9], [sflag:$0x1] =	stream.indirect_vreg.gather [hbm4b:s5+s2], $0x80, v3, vm0, $0xb8;
	[tilespmem:$0x10080] =	vst v63  }
0xb6: {  	s19 =	simm.s32 $0xB880  }
0xb7: {  	[tilespmem:s19], [sflag:$0x1] =	stream.indirect_vreg.gather [hbm4b:s6+s2], $0x80, v3, vm0, $0xb8;
	[tilespmem:$0x10080] =	vst v63  }
0xb8: {  	v3 =	vld [tilespmem:$0x30];
	_ =	sdelay $0x4  }
0xb9: {  	v63 =	vshll.u32 v3, $0x3  }
0xba: {  	v3 =	vand.u32 $0x7, v3;
	v4 =	vand.u32 $0xFFFFFFC0, v63  }
0xbb: {  	v3 =	vor.u32 v3, v4  }
0xbc: {  	v4 =	vperm.xlane v3, v0;
	_ =	sdelay $0x1  }
0xbd: {  	v4 =	vadd.s32 v1, v4;
	_ =	sdelay $0x3  }
0xbe: {  	s19 =	simm.s32 $0xC080  }
0xbf: {  	[tilespmem:s19], [sflag:$0x1] =	stream.indirect_vreg.gather [hbm4b:s3+s2], $0x80, v4, vm0, $0xb8;
	[tilespmem:$0x10080] =	vst v63  }
0xc0: {  	v3 =	vperm.xlane v3, v2;
	s19 =	simm.s32 $0xC880  }
0xc1: {  	[tilespmem:s19], [sflag:$0x1] =	stream.indirect_vreg.gather [hbm4b:s4+s2], $0x80, v4, vm0, $0xb8;
	[tilespmem:$0x10080] =	vst v63  }
0xc2: {  	v3 =	vadd.s32 v1, v3;
	s19 =	simm.s32 $0xD080  }
0xc3: {  	[tilespmem:s19], [sflag:$0x1] =	stream.indirect_vreg.gather [hbm4b:s5+s2], $0x80, v4, vm0, $0xb8;
	[tilespmem:$0x10080] =	vst v63  }
0xc4: {  	s19 =	simm.s32 $0xD880  }
0xc5: {  	[tilespmem:s19], [sflag:$0x1] =	stream.indirect_vreg.gather [hbm4b:s6+s2], $0x80, v4, vm0, $0xb8;
	[tilespmem:$0x10080] =	vst v63  }
0xc6: {  	s19 =	simm.s32 $0xE080  }
0xc7: {  	[tilespmem:s19], [sflag:$0x1] =	stream.indirect_vreg.gather [hbm4b:s3+s2], $0x80, v3, vm0, $0xb8;
	[tilespmem:$0x10080] =	vst v63  }
0xc8: {  	s19 =	simm.s32 $0xE880  }
0xc9: {  	[tilespmem:s19], [sflag:$0x1] =	stream.indirect_vreg.gather [hbm4b:s4+s2], $0x80, v3, vm0, $0xb8;
	[tilespmem:$0x10080] =	vst v63  }
0xca: {  	s19 =	simm.s32 $0xF080  }
0xcb: {  	[tilespmem:s19], [sflag:$0x1] =	stream.indirect_vreg.gather [hbm4b:s5+s2], $0x80, v3, vm0, $0xb8;
	[tilespmem:$0x10080] =	vst v63  }
0xcc: {  	s19 =	simm.s32 $0xF880  }
0xcd: {  	[tilespmem:s19], [sflag:$0x1] =	stream.indirect_vreg.gather [hbm4b:s6+s2], $0x80, v3, vm0, $0xb8;
	[tilespmem:$0x10080] =	vst v63  }
0xce: {  	_ =	swait.ge [sflag:s18], $0x10000  }
0xcf: {  	p0 =	sne.s32 s7, $0x1;
	[sflag:s18] =	ssyncset.done $0x0  }
.Ltmp0:
0xd0: {  	s1 =	rddreg [dreg:$0x5];
	[sflag:s18] =	ssyncadd.s32 $0xFFFF0000;
	(pc) =	sbr.rel @p0 .LBB2_1-.Ltmp0, $4  }
0xd1: {  	[hbm4b:s1+s2] =	stream.linear.scatter [tilespmem:s0], [sflag:$0x2], $0x10000, $0x38;
	[tilespmem:$0x10080] =	vst v63  }
0xd2: {  	_ =	swait.ge [sflag:s8], $0x10000  }
0xd3: {  	[sflag:s8] =	ssyncset.done $0x0  }
0xd4: {  	s7 =	sadd.s32 $0xFFFFFFFF, s7;
	[sflag:s8] =	ssyncadd.s32 $0xFFFF0000  }
0xd5: {  	_ =	sfence.sel $0x180000  }
0xd6: {  	[bflag:$0x0] =	sbarrier.arrive $0xFFFF  }
0xd7: {  	_ =	strace $0x9000004A  }
0xd8: {  	s0 =	stileid.u32;
	[bflag:$0x2] =	sbarrier.arrive $0xFFFF  }
0xd9: {  	p0 =	sne.s32 s0, $0x0;
	s0 =	rddreg [dreg:$0x1]  }
0xda: {  	s0 =	sadd.s32 @!p0 $0x100000, s0  }
0xdb: {  	[sflag:s0] =	ssyncadd.tile.s32 @!p0 $0x1;
	_ =	shalt  }
.Lfunc_end2:
_tile_overlayer_lowered:
.L_overlay_start_2:
0xdc: {  	(tag) =	ssettag $0x2  }
0xdd: {  	s0 =	rddreg [dreg:$0x0];
	s2 =	stileid.u32  }
0xde: {  	s1 =	rddreg [dreg:$0x1];
	p0 =	sne.s32 s2, $0x0  }
0xdf: {  	s3 =	rddreg [dreg:$0x2];
	[bflag:$0x3] =	sbarrier.arrive $0xFFFF;
	s2 =	simm.s32 @!p0 $0x1C02  }
0xe0: {  	[timem:s3], [sflag:s2] =	dma.local @!p0 [hbm:s0], s1  }
0xe1: {  	s0 =	simm.s32 @!p0 $0x2  }
0xe2: {  	_ =	swait.ge @!p0 [sflag:s0], s1  }
0xe3: {  	s1 =	ssub.s32 @!p0 $0x0, s1;
	[sflag:s0] =	ssyncset.done @!p0 $0x0  }
0xe4: {  	[sflag:s0] =	ssyncadd.s32 @!p0 s1  }
0xe5: {  	[bflag:$0x3] =	sbarrier.arrive $0xFFFF  }
0xe6: {  	_ =	shalt  }

</sc_bundles>
